<compile_context>
chip_gen: v7x
topology: tpu7x:2x2x1
jax: 0.10.2.dev20260603
libtpu: 0.0.44.dev20260713+nightly
codegen_flags: <defaults>
</compile_context>

<pallas_src>
import functools

import jax
import jax.numpy as jnp
from jax import lax
from jax.experimental import pallas as pl
from jax.experimental.pallas import tpu as pltpu
from jax.experimental.pallas import tpu_sc as plsc

D = 128
B = 4096
QL = 20
AL = 50
NQ = B * QL
NA = B * AL
NW = 32
CH = 128
QCH = NQ // (NW * CH)
ACH = NA // (NW * CH)
NB = 5


def _sc_gather(idx_q, idx_a, table):
    mesh = plsc.VectorSubcoreMesh(core_axis_name="c", subcore_axis_name="s")

    @functools.partial(
        pl.kernel,
        mesh=mesh,
        out_type=[
            jax.ShapeDtypeStruct((NQ, D), jnp.float32),
            jax.ShapeDtypeStruct((NA, D), jnp.float32),
        ],
        scratch_types=(
            [pltpu.VMEM((QCH * CH,), jnp.int32),
             pltpu.VMEM((ACH * CH,), jnp.int32)]
            + [pltpu.VMEM((CH, D), jnp.float32) for _ in range(NB)]
            + [pltpu.SemaphoreType.DMA for _ in range(2 * NB)]
        ),
    )
    def k(idx_q_hbm, idx_a_hbm, table_hbm, out_q_hbm, out_a_hbm,
          idx_q_v, idx_a_v, *scratch):
        rows = scratch[:NB]
        gsem = scratch[NB:2 * NB]
        ssem = scratch[2 * NB:]
        wid = lax.axis_index("s") * 2 + lax.axis_index("c")

        pltpu.sync_copy(idx_q_hbm.at[pl.ds(wid * QCH * CH, QCH * CH)], idx_q_v)
        pltpu.sync_copy(idx_a_hbm.at[pl.ds(wid * ACH * CH, ACH * CH)], idx_a_v)

        def run(idx_v, out_hbm, nchunks, first):
            base = wid * nchunks * CH

            def body(t, carry):
                descs = []
                for b in range(NB):
                    c = t * NB + b
                    if not first:
                        pltpu.make_async_copy(
                            rows[b], out_hbm.at[pl.ds(0, CH)], ssem[b]).wait()
                    else:
                        @pl.when(t > 0)
                        def _():
                            pltpu.make_async_copy(
                                rows[b], out_hbm.at[pl.ds(0, CH)],
                                ssem[b]).wait()
                    descs.append(pltpu.async_copy(
                        table_hbm.at[idx_v.at[pl.ds(c * CH, CH)]],
                        rows[b], gsem[b]))
                for b in range(NB):
                    descs[b].wait()
                    pltpu.async_copy(
                        rows[b],
                        out_hbm.at[pl.ds(base + (t * NB + b) * CH, CH)],
                        ssem[b])
                return carry

            lax.fori_loop(0, nchunks // NB, body, 0)

        run(idx_q_v, out_q_hbm, QCH, first=True)
        run(idx_a_v, out_a_hbm, ACH, first=False)
        for b in range(NB):
            pltpu.make_async_copy(
                rows[b], out_a_hbm.at[pl.ds(0, CH)], ssem[b]).wait()

    return k(idx_q, idx_a, table)


def _masks(iq_t, ia_t):
    def body(q_ref, a_ref, mq_ref, ma_ref):
        for ref, out in ((q_ref, mq_ref), (a_ref, ma_ref)):
            x = ref[...].astype(jnp.float32)
            m = jnp.max(x, axis=0, keepdims=True)
            out[...] = jnp.ceil(x / m)

    nb = 8
    bb = B // nb
    return pl.pallas_call(
        body,
        grid=(nb,),
        in_specs=[
            pl.BlockSpec((QL, bb), lambda i: (0, i)),
            pl.BlockSpec((AL, bb), lambda i: (0, i)),
        ],
        out_specs=[
            pl.BlockSpec((QL, bb), lambda i: (0, i)),
            pl.BlockSpec((AL, bb), lambda i: (0, i)),
        ],
        out_shape=[
            jax.ShapeDtypeStruct((QL, B), jnp.float32),
            jax.ShapeDtypeStruct((AL, B), jnp.float32),
        ],
    )(iq_t, ia_t)


def kernel(input_question, input_answer, embeddings):
    iq_t = input_question.T
    ia_t = input_answer.T
    eq2, ea2 = _sc_gather(iq_t.reshape(-1), ia_t.reshape(-1), embeddings)
    eq = eq2.reshape(QL, B, D).transpose(1, 0, 2)
    ea = ea2.reshape(AL, B, D).transpose(1, 0, 2)
    mq_t, ma_t = _masks(iq_t, ia_t)
    return eq, ea, mq_t.T, ma_t.T

# --- scband reference (transcript-rebuilt; emitter-appended) ---
"""Pipeline reference for scband-qapairwise-model-88399016886980 (READ-ONLY COPY).

The authoritative reference and input builder live on the scoring server;
editing this copy changes nothing except your own understanding.
"""

import jax, jax.numpy as jnp
import numpy as np

VOCAB = 100000
EMBED_DIM = 128
BATCH = 4096
Q_LEN = 20
A_LEN = 50


def non_zero_tokens(tokens):
    # tokens: float32 [B, L]; 1.0 where token id > 0, 0.0 where zero-padded
    return jnp.ceil(tokens / jnp.max(tokens, axis=1, keepdims=True))


def setup_inputs(seed: int = 0) -> dict:
    key = jax.random.key(seed)
    kq, ka, kw = jax.random.split(key, 3)
    input_question = jax.random.randint(kq, (BATCH, Q_LEN), 0, VOCAB, dtype=jnp.int32)
    input_answer = jax.random.randint(ka, (BATCH, A_LEN), 0, VOCAB, dtype=jnp.int32)
    embeddings = jax.random.normal(kw, (VOCAB, EMBED_DIM), dtype=jnp.float32) * 0.02
    return {"input_question": input_question, "input_answer": input_answer, "embeddings": embeddings}


def reference(input_question, input_answer, embeddings):
    # dropout with keep_prob=1.0 is identity, so it is omitted (deterministic)
    embeddings_question = jnp.take(embeddings, input_question, axis=0)  # [B, Q_LEN, D]
    embeddings_answer = jnp.take(embeddings, input_answer, axis=0)      # [B, A_LEN, D]
    non_zero_question_tokens = non_zero_tokens(input_question.astype(jnp.float32))
    non_zero_answer_tokens = non_zero_tokens(input_answer.astype(jnp.float32))
    return embeddings_question, embeddings_answer, non_zero_question_tokens, non_zero_answer_tokens

if __name__ == "__main__":
    import jax
    _d = setup_inputs()
    print(jax.jit(kernel)(*tuple(_d.values())))

</pallas_src>

<mosaic_0001>
#map = affine_map<(d0, d1) -> (0)>
#map1 = affine_map<(d0, d1) -> (0, 0)>
module attributes {stable_mosaic.version = 14 : i64} {
  func.func @k(%arg0: i32, %arg1: i32, %arg2: memref<81920xi32, #tpu.memory_space<hbm>>, %arg3: memref<204800xi32, #tpu.memory_space<hbm>>, %arg4: memref<100000x128xf32, #tpu.memory_space<hbm>>, %arg5: memref<81920x128xf32, #tpu.memory_space<hbm>>, %arg6: memref<204800x128xf32, #tpu.memory_space<hbm>>, %arg7: memref<2560xi32, #tpu.memory_space<vmem>>, %arg8: memref<6400xi32, #tpu.memory_space<vmem>>, %arg9: memref<128x128xf32, #tpu.memory_space<vmem>>, %arg10: memref<128x128xf32, #tpu.memory_space<vmem>>, %arg11: memref<128x128xf32, #tpu.memory_space<vmem>>, %arg12: memref<128x128xf32, #tpu.memory_space<vmem>>, %arg13: memref<128x128xf32, #tpu.memory_space<vmem>>, %arg14: memref<!tpu.dma_semaphore, #tpu.memory_space<semaphore_mem>>, %arg15: memref<!tpu.dma_semaphore, #tpu.memory_space<semaphore_mem>>, %arg16: memref<!tpu.dma_semaphore, #tpu.memory_space<semaphore_mem>>, %arg17: memref<!tpu.dma_semaphore, #tpu.memory_space<semaphore_mem>>, %arg18: memref<!tpu.dma_semaphore, #tpu.memory_space<semaphore_mem>>, %arg19: memref<!tpu.dma_semaphore, #tpu.memory_space<semaphore_mem>>, %arg20: memref<!tpu.dma_semaphore, #tpu.memory_space<semaphore_mem>>, %arg21: memref<!tpu.dma_semaphore, #tpu.memory_space<semaphore_mem>>, %arg22: memref<!tpu.dma_semaphore, #tpu.memory_space<semaphore_mem>>, %arg23: memref<!tpu.dma_semaphore, #tpu.memory_space<semaphore_mem>>) attributes {dimension_semantics = [#tpu.dimension_semantics<core_parallel>, #tpu.dimension_semantics<subcore_parallel>], iteration_bounds = array<i64: 2, 16>, scalar_prefetch = 0 : i64, scratch_operands = 17 : i64, tpu.core_type = #tpu.core_type<sc_vector_subcore>, window_params = [{transform_indices = #map}, {transform_indices = #map}, {transform_indices = #map1}, {transform_indices = #map1}, {transform_indices = #map1}]} {
    %mul3A = arith.constant 2 : i32
    %mul3A_0 = arith.muli %arg1, %mul3A : i32
    %add3A = arith.addi %mul3A_0, %arg0 : i32
    %mul3A_1 = arith.constant 20 : i32
    %mul3A_2 = arith.muli %add3A, %mul3A_1 : i32
    %mul3A_3 = arith.constant 128 : i32
    %mul3A_4 = arith.muli %mul3A_2, %mul3A_3 : i32
    "tpu.region"() ({
      %run_scoped3A = tpu.sem_alloc : memref<!tpu.dma_semaphore, #tpu.memory_space<semaphore_mem>>
      %dma_start3A = tpu.memref_slice %arg2[%mul3A_4] : memref<81920xi32, #tpu.memory_space<hbm>> -> memref<2560xi32, #tpu.memory_space<hbm>>
      %dma_start3A_57 = tpu.memref_slice %arg2[%mul3A_4] : memref<81920xi32, #tpu.memory_space<hbm>> -> memref<2560xi32, #tpu.memory_space<hbm>>
      tpu.enqueue_dma source(%dma_start3A_57 : memref<2560xi32, #tpu.memory_space<hbm>>) target(%arg7 : memref<2560xi32, #tpu.memory_space<vmem>>) target_semaphore(%run_scoped3A : memref<!tpu.dma_semaphore, #tpu.memory_space<semaphore_mem>>)
      %dma_wait3A_58 = tpu.memref_slice %arg2[%mul3A_4] : memref<81920xi32, #tpu.memory_space<hbm>> -> memref<2560xi32, #tpu.memory_space<hbm>>
      %dma_wait3A_59 = tpu.memref_slice %arg2[%mul3A_4] : memref<81920xi32, #tpu.memory_space<hbm>> -> memref<2560xi32, #tpu.memory_space<hbm>>
      tpu.wait_dma2 semaphore(%run_scoped3A : memref<!tpu.dma_semaphore, #tpu.memory_space<semaphore_mem>>) src(%dma_wait3A_59 : memref<2560xi32, #tpu.memory_space<hbm>>) dst(%arg7 : memref<2560xi32, #tpu.memory_space<vmem>>)
      tpu.yield
    }) : () -> ()
    %mul3A_5 = arith.constant 50 : i32
    %mul3A_6 = arith.muli %add3A, %mul3A_5 : i32
    %mul3A_7 = arith.constant 128 : i32
    %mul3A_8 = arith.muli %mul3A_6, %mul3A_7 : i32
    "tpu.region"() ({
      %run_scoped3A = tpu.sem_alloc : memref<!tpu.dma_semaphore, #tpu.memory_space<semaphore_mem>>
      %dma_start3A = tpu.memref_slice %arg3[%mul3A_8] : memref<204800xi32, #tpu.memory_space<hbm>> -> memref<6400xi32, #tpu.memory_space<hbm>>
      %dma_start3A_57 = tpu.memref_slice %arg3[%mul3A_8] : memref<204800xi32, #tpu.memory_space<hbm>> -> memref<6400xi32, #tpu.memory_space<hbm>>
      tpu.enqueue_dma source(%dma_start3A_57 : memref<6400xi32, #tpu.memory_space<hbm>>) target(%arg8 : memref<6400xi32, #tpu.memory_space<vmem>>) target_semaphore(%run_scoped3A : memref<!tpu.dma_semaphore, #tpu.memory_space<semaphore_mem>>)
      %dma_wait3A_58 = tpu.memref_slice %arg3[%mul3A_8] : memref<204800xi32, #tpu.memory_space<hbm>> -> memref<6400xi32, #tpu.memory_space<hbm>>
      %dma_wait3A_59 = tpu.memref_slice %arg3[%mul3A_8] : memref<204800xi32, #tpu.memory_space<hbm>> -> memref<6400xi32, #tpu.memory_space<hbm>>
      tpu.wait_dma2 semaphore(%run_scoped3A : memref<!tpu.dma_semaphore, #tpu.memory_space<semaphore_mem>>) src(%dma_wait3A_59 : memref<6400xi32, #tpu.memory_space<hbm>>) dst(%arg8 : memref<6400xi32, #tpu.memory_space<vmem>>)
      tpu.yield
    }) : () -> ()
    %mul3A_9 = arith.constant 20 : i32
    %mul3A_10 = arith.muli %add3A, %mul3A_9 : i32
    %mul3A_11 = arith.constant 128 : i32
    %mul3A_12 = arith.muli %mul3A_10, %mul3A_11 : i32
    %scan3A = arith.constant 0 : i32
    %scan3A_13 = arith.constant 0 : i32
    %scan3A_14 = arith.constant 4 : i32
    %scan3A_15 = arith.addi %scan3A_13, %scan3A_14 : i32
    %scan3A_16 = arith.constant 1 : i32
    scf.for %scan3A_57 = %scan3A_13 to %scan3A_15 step %scan3A_16  : i32 {
      %mul3A_58 = arith.constant 5 : i32
      %mul3A_59 = arith.muli %scan3A_57, %mul3A_58 : i32
      %add3A_60 = arith.constant 0 : i32
      %add3A_61 = arith.addi %mul3A_59, %add3A_60 : i32
      %gt3A = arith.constant 0 : i32
      %gt3A_62 = arith.cmpi sgt, %scan3A_57, %gt3A : i32
      %convert_element_type3A = arith.extui %gt3A_62 : i1 to i32
      %cond3A = arith.constant 0 : i32
      %cond3A_63 = arith.cmpi ne, %convert_element_type3A, %cond3A : i32
      scf.if %cond3A_63 {
        %dma_wait3A_204 = arith.constant 0 : i32
        %dma_wait3A_205 = arith.constant 0 : i32
        %dma_wait3A_206 = tpu.memref_slice %arg5[%dma_wait3A_204, %dma_wait3A_205] : memref<81920x128xf32, #tpu.memory_space<hbm>> -> memref<128x128xf32, #tpu.memory_space<hbm>>
        %dma_wait3A_207 = arith.constant 0 : i32
        %dma_wait3A_208 = arith.constant 0 : i32
        %dma_wait3A_209 = tpu.memref_slice %arg5[%dma_wait3A_207, %dma_wait3A_208] : memref<81920x128xf32, #tpu.memory_space<hbm>> -> memref<128x128xf32, #tpu.memory_space<hbm>>
        tpu.wait_dma2 semaphore(%arg19 : memref<!tpu.dma_semaphore, #tpu.memory_space<semaphore_mem>>) src(%arg9 : memref<128x128xf32, #tpu.memory_space<vmem>>) dst(%dma_wait3A_209 : memref<128x128xf32, #tpu.memory_space<hbm>>)
      } else {
      }
      %mul3A_64 = arith.constant 128 : i32
      %mul3A_65 = arith.muli %add3A_61, %mul3A_64 : i32
      %dma_start3A = tpu.memref_slice %arg7[%mul3A_65] : memref<2560xi32, #tpu.memory_space<vmem>> -> memref<128xi32, #tpu.memory_space<vmem>>
      %dma_start3A_66 = arith.constant 0 : i32
      %dma_start3A_67 = arith.constant 0 : i32
      %dma_start3A_68 = tpu.memref_slice %arg4[%dma_start3A_66, %dma_start3A_67] : memref<100000x128xf32, #tpu.memory_space<hbm>> -> memref<100000x128xf32, #tpu.memory_space<hbm>>
      tpu.enqueue_indirect_dma source(%dma_start3A_68 : memref<100000x128xf32, #tpu.memory_space<hbm>>) target(%arg9 : memref<128x128xf32, #tpu.memory_space<vmem>>) offsets(%dma_start3A : memref<128xi32, #tpu.memory_space<vmem>>) semaphore(%arg14 : memref<!tpu.dma_semaphore, #tpu.memory_space<semaphore_mem>>)
      %mul3A_69 = arith.constant 5 : i32
      %mul3A_70 = arith.muli %scan3A_57, %mul3A_69 : i32
      %add3A_71 = arith.constant 1 : i32
      %add3A_72 = arith.addi %mul3A_70, %add3A_71 : i32
      %gt3A_73 = arith.constant 0 : i32
      %gt3A_74 = arith.cmpi sgt, %scan3A_57, %gt3A_73 : i32
      %convert_element_type3A_75 = arith.extui %gt3A_74 : i1 to i32
      %cond3A_76 = arith.constant 0 : i32
      %cond3A_77 = arith.cmpi ne, %convert_element_type3A_75, %cond3A_76 : i32
      scf.if %cond3A_77 {
        %dma_wait3A_204 = arith.constant 0 : i32
        %dma_wait3A_205 = arith.constant 0 : i32
        %dma_wait3A_206 = tpu.memref_slice %arg5[%dma_wait3A_204, %dma_wait3A_205] : memref<81920x128xf32, #tpu.memory_space<hbm>> -> memref<128x128xf32, #tpu.memory_space<hbm>>
        %dma_wait3A_207 = arith.constant 0 : i32
        %dma_wait3A_208 = arith.constant 0 : i32
        %dma_wait3A_209 = tpu.memref_slice %arg5[%dma_wait3A_207, %dma_wait3A_208] : memref<81920x128xf32, #tpu.memory_space<hbm>> -> memref<128x128xf32, #tpu.memory_space<hbm>>
        tpu.wait_dma2 semaphore(%arg20 : memref<!tpu.dma_semaphore, #tpu.memory_space<semaphore_mem>>) src(%arg10 : memref<128x128xf32, #tpu.memory_space<vmem>>) dst(%dma_wait3A_209 : memref<128x128xf32, #tpu.memory_space<hbm>>)
      } else {
      }
      %mul3A_78 = arith.constant 128 : i32
      %mul3A_79 = arith.muli %add3A_72, %mul3A_78 : i32
      %dma_start3A_80 = tpu.memref_slice %arg7[%mul3A_79] : memref<2560xi32, #tpu.memory_space<vmem>> -> memref<128xi32, #tpu.memory_space<vmem>>
      %dma_start3A_81 = arith.constant 0 : i32
      %dma_start3A_82 = arith.constant 0 : i32
      %dma_start3A_83 = tpu.memref_slice %arg4[%dma_start3A_81, %dma_start3A_82] : memref<100000x128xf32, #tpu.memory_space<hbm>> -> memref<100000x128xf32, #tpu.memory_space<hbm>>
      tpu.enqueue_indirect_dma source(%dma_start3A_83 : memref<100000x128xf32, #tpu.memory_space<hbm>>) target(%arg10 : memref<128x128xf32, #tpu.memory_space<vmem>>) offsets(%dma_start3A_80 : memref<128xi32, #tpu.memory_space<vmem>>) semaphore(%arg15 : memref<!tpu.dma_semaphore, #tpu.memory_space<semaphore_mem>>)
      %mul3A_84 = arith.constant 5 : i32
      %mul3A_85 = arith.muli %scan3A_57, %mul3A_84 : i32
      %add3A_86 = arith.constant 2 : i32
      %add3A_87 = arith.addi %mul3A_85, %add3A_86 : i32
      %gt3A_88 = arith.constant 0 : i32
      %gt3A_89 = arith.cmpi sgt, %scan3A_57, %gt3A_88 : i32
      %convert_element_type3A_90 = arith.extui %gt3A_89 : i1 to i32
      %cond3A_91 = arith.constant 0 : i32
      %cond3A_92 = arith.cmpi ne, %convert_element_type3A_90, %cond3A_91 : i32
      scf.if %cond3A_92 {
        %dma_wait3A_204 = arith.constant 0 : i32
        %dma_wait3A_205 = arith.constant 0 : i32
        %dma_wait3A_206 = tpu.memref_slice %arg5[%dma_wait3A_204, %dma_wait3A_205] : memref<81920x128xf32, #tpu.memory_space<hbm>> -> memref<128x128xf32, #tpu.memory_space<hbm>>
        %dma_wait3A_207 = arith.constant 0 : i32
        %dma_wait3A_208 = arith.constant 0 : i32
        %dma_wait3A_209 = tpu.memref_slice %arg5[%dma_wait3A_207, %dma_wait3A_208] : memref<81920x128xf32, #tpu.memory_space<hbm>> -> memref<128x128xf32, #tpu.memory_space<hbm>>
        tpu.wait_dma2 semaphore(%arg21 : memref<!tpu.dma_semaphore, #tpu.memory_space<semaphore_mem>>) src(%arg11 : memref<128x128xf32, #tpu.memory_space<vmem>>) dst(%dma_wait3A_209 : memref<128x128xf32, #tpu.memory_space<hbm>>)
      } else {
      }
      %mul3A_93 = arith.constant 128 : i32
      %mul3A_94 = arith.muli %add3A_87, %mul3A_93 : i32
      %dma_start3A_95 = tpu.memref_slice %arg7[%mul3A_94] : memref<2560xi32, #tpu.memory_space<vmem>> -> memref<128xi32, #tpu.memory_space<vmem>>
      %dma_start3A_96 = arith.constant 0 : i32
      %dma_start3A_97 = arith.constant 0 : i32
      %dma_start3A_98 = tpu.memref_slice %arg4[%dma_start3A_96, %dma_start3A_97] : memref<100000x128xf32, #tpu.memory_space<hbm>> -> memref<100000x128xf32, #tpu.memory_space<hbm>>
      tpu.enqueue_indirect_dma source(%dma_start3A_98 : memref<100000x128xf32, #tpu.memory_space<hbm>>) target(%arg11 : memref<128x128xf32, #tpu.memory_space<vmem>>) offsets(%dma_start3A_95 : memref<128xi32, #tpu.memory_space<vmem>>) semaphore(%arg16 : memref<!tpu.dma_semaphore, #tpu.memory_space<semaphore_mem>>)
      %mul3A_99 = arith.constant 5 : i32
      %mul3A_100 = arith.muli %scan3A_57, %mul3A_99 : i32
      %add3A_101 = arith.constant 3 : i32
      %add3A_102 = arith.addi %mul3A_100, %add3A_101 : i32
      %gt3A_103 = arith.constant 0 : i32
      %gt3A_104 = arith.cmpi sgt, %scan3A_57, %gt3A_103 : i32
      %convert_element_type3A_105 = arith.extui %gt3A_104 : i1 to i32
      %cond3A_106 = arith.constant 0 : i32
      %cond3A_107 = arith.cmpi ne, %convert_element_type3A_105, %cond3A_106 : i32
      scf.if %cond3A_107 {
        %dma_wait3A_204 = arith.constant 0 : i32
        %dma_wait3A_205 = arith.constant 0 : i32
        %dma_wait3A_206 = tpu.memref_slice %arg5[%dma_wait3A_204, %dma_wait3A_205] : memref<81920x128xf32, #tpu.memory_space<hbm>> -> memref<128x128xf32, #tpu.memory_space<hbm>>
        %dma_wait3A_207 = arith.constant 0 : i32
        %dma_wait3A_208 = arith.constant 0 : i32
        %dma_wait3A_209 = tpu.memref_slice %arg5[%dma_wait3A_207, %dma_wait3A_208] : memref<81920x128xf32, #tpu.memory_space<hbm>> -> memref<128x128xf32, #tpu.memory_space<hbm>>
        tpu.wait_dma2 semaphore(%arg22 : memref<!tpu.dma_semaphore, #tpu.memory_space<semaphore_mem>>) src(%arg12 : memref<128x128xf32, #tpu.memory_space<vmem>>) dst(%dma_wait3A_209 : memref<128x128xf32, #tpu.memory_space<hbm>>)
      } else {
      }
      %mul3A_108 = arith.constant 128 : i32
      %mul3A_109 = arith.muli %add3A_102, %mul3A_108 : i32
      %dma_start3A_110 = tpu.memref_slice %arg7[%mul3A_109] : memref<2560xi32, #tpu.memory_space<vmem>> -> memref<128xi32, #tpu.memory_space<vmem>>
      %dma_start3A_111 = arith.constant 0 : i32
      %dma_start3A_112 = arith.constant 0 : i32
      %dma_start3A_113 = tpu.memref_slice %arg4[%dma_start3A_111, %dma_start3A_112] : memref<100000x128xf32, #tpu.memory_space<hbm>> -> memref<100000x128xf32, #tpu.memory_space<hbm>>
      tpu.enqueue_indirect_dma source(%dma_start3A_113 : memref<100000x128xf32, #tpu.memory_space<hbm>>) target(%arg12 : memref<128x128xf32, #tpu.memory_space<vmem>>) offsets(%dma_start3A_110 : memref<128xi32, #tpu.memory_space<vmem>>) semaphore(%arg17 : memref<!tpu.dma_semaphore, #tpu.memory_space<semaphore_mem>>)
      %mul3A_114 = arith.constant 5 : i32
      %mul3A_115 = arith.muli %scan3A_57, %mul3A_114 : i32
      %add3A_116 = arith.constant 4 : i32
      %add3A_117 = arith.addi %mul3A_115, %add3A_116 : i32
      %gt3A_118 = arith.constant 0 : i32
      %gt3A_119 = arith.cmpi sgt, %scan3A_57, %gt3A_118 : i32
      %convert_element_type3A_120 = arith.extui %gt3A_119 : i1 to i32
      %cond3A_121 = arith.constant 0 : i32
      %cond3A_122 = arith.cmpi ne, %convert_element_type3A_120, %cond3A_121 : i32
      scf.if %cond3A_122 {
        %dma_wait3A_204 = arith.constant 0 : i32
        %dma_wait3A_205 = arith.constant 0 : i32
        %dma_wait3A_206 = tpu.memref_slice %arg5[%dma_wait3A_204, %dma_wait3A_205] : memref<81920x128xf32, #tpu.memory_space<hbm>> -> memref<128x128xf32, #tpu.memory_space<hbm>>
        %dma_wait3A_207 = arith.constant 0 : i32
        %dma_wait3A_208 = arith.constant 0 : i32
        %dma_wait3A_209 = tpu.memref_slice %arg5[%dma_wait3A_207, %dma_wait3A_208] : memref<81920x128xf32, #tpu.memory_space<hbm>> -> memref<128x128xf32, #tpu.memory_space<hbm>>
        tpu.wait_dma2 semaphore(%arg23 : memref<!tpu.dma_semaphore, #tpu.memory_space<semaphore_mem>>) src(%arg13 : memref<128x128xf32, #tpu.memory_space<vmem>>) dst(%dma_wait3A_209 : memref<128x128xf32, #tpu.memory_space<hbm>>)
      } else {
      }
      %mul3A_123 = arith.constant 128 : i32
      %mul3A_124 = arith.muli %add3A_117, %mul3A_123 : i32
      %dma_start3A_125 = tpu.memref_slice %arg7[%mul3A_124] : memref<2560xi32, #tpu.memory_space<vmem>> -> memref<128xi32, #tpu.memory_space<vmem>>
      %dma_start3A_126 = arith.constant 0 : i32
      %dma_start3A_127 = arith.constant 0 : i32
      %dma_start3A_128 = tpu.memref_slice %arg4[%dma_start3A_126, %dma_start3A_127] : memref<100000x128xf32, #tpu.memory_space<hbm>> -> memref<100000x128xf32, #tpu.memory_space<hbm>>
      tpu.enqueue_indirect_dma source(%dma_start3A_128 : memref<100000x128xf32, #tpu.memory_space<hbm>>) target(%arg13 : memref<128x128xf32, #tpu.memory_space<vmem>>) offsets(%dma_start3A_125 : memref<128xi32, #tpu.memory_space<vmem>>) semaphore(%arg18 : memref<!tpu.dma_semaphore, #tpu.memory_space<semaphore_mem>>)
      %dma_wait3A_129 = tpu.memref_slice %arg7[%mul3A_65] : memref<2560xi32, #tpu.memory_space<vmem>> -> memref<128xi32, #tpu.memory_space<vmem>>
      %dma_wait3A_130 = arith.constant 0 : i32
      %dma_wait3A_131 = arith.constant 0 : i32
      %dma_wait3A_132 = tpu.memref_slice %arg4[%dma_wait3A_130, %dma_wait3A_131] : memref<100000x128xf32, #tpu.memory_space<hbm>> -> memref<100000x128xf32, #tpu.memory_space<hbm>>
      tpu.wait_indirect_dma semaphore(%arg14 : memref<!tpu.dma_semaphore, #tpu.memory_space<semaphore_mem>>) src(%dma_wait3A_132 : memref<100000x128xf32, #tpu.memory_space<hbm>>) dst(%arg9 : memref<128x128xf32, #tpu.memory_space<vmem>>)
      %mul3A_133 = arith.constant 5 : i32
      %mul3A_134 = arith.muli %scan3A_57, %mul3A_133 : i32
      %add3A_135 = arith.constant 0 : i32
      %add3A_136 = arith.addi %mul3A_134, %add3A_135 : i32
      %mul3A_137 = arith.constant 128 : i32
      %mul3A_138 = arith.muli %add3A_136, %mul3A_137 : i32
      %add3A_139 = arith.addi %mul3A_12, %mul3A_138 : i32
      %dma_start3A_140 = arith.constant 0 : i32
      %dma_start3A_141 = tpu.memref_slice %arg5[%add3A_139, %dma_start3A_140] : memref<81920x128xf32, #tpu.memory_space<hbm>> -> memref<128x128xf32, #tpu.memory_space<hbm>>
      %dma_start3A_142 = arith.constant 0 : i32
      %dma_start3A_143 = tpu.memref_slice %arg5[%add3A_139, %dma_start3A_142] : memref<81920x128xf32, #tpu.memory_space<hbm>> -> memref<128x128xf32, #tpu.memory_space<hbm>>
      tpu.enqueue_dma source(%arg9 : memref<128x128xf32, #tpu.memory_space<vmem>>) target(%dma_start3A_143 : memref<128x128xf32, #tpu.memory_space<hbm>>) target_semaphore(%arg19 : memref<!tpu.dma_semaphore, #tpu.memory_space<semaphore_mem>>)
      %dma_wait3A_144 = tpu.memref_slice %arg7[%mul3A_79] : memref<2560xi32, #tpu.memory_space<vmem>> -> memref<128xi32, #tpu.memory_space<vmem>>
      %dma_wait3A_145 = arith.constant 0 : i32
      %dma_wait3A_146 = arith.constant 0 : i32
      %dma_wait3A_147 = tpu.memref_slice %arg4[%dma_wait3A_145, %dma_wait3A_146] : memref<100000x128xf32, #tpu.memory_space<hbm>> -> memref<100000x128xf32, #tpu.memory_space<hbm>>
      tpu.wait_indirect_dma semaphore(%arg15 : memref<!tpu.dma_semaphore, #tpu.memory_space<semaphore_mem>>) src(%dma_wait3A_147 : memref<100000x128xf32, #tpu.memory_space<hbm>>) dst(%arg10 : memref<128x128xf32, #tpu.memory_space<vmem>>)
      %mul3A_148 = arith.constant 5 : i32
      %mul3A_149 = arith.muli %scan3A_57, %mul3A_148 : i32
      %add3A_150 = arith.constant 1 : i32
      %add3A_151 = arith.addi %mul3A_149, %add3A_150 : i32
      %mul3A_152 = arith.constant 128 : i32
      %mul3A_153 = arith.muli %add3A_151, %mul3A_152 : i32
      %add3A_154 = arith.addi %mul3A_12, %mul3A_153 : i32
      %dma_start3A_155 = arith.constant 0 : i32
      %dma_start3A_156 = tpu.memref_slice %arg5[%add3A_154, %dma_start3A_155] : memref<81920x128xf32, #tpu.memory_space<hbm>> -> memref<128x128xf32, #tpu.memory_space<hbm>>
      %dma_start3A_157 = arith.constant 0 : i32
      %dma_start3A_158 = tpu.memref_slice %arg5[%add3A_154, %dma_start3A_157] : memref<81920x128xf32, #tpu.memory_space<hbm>> -> memref<128x128xf32, #tpu.memory_space<hbm>>
      tpu.enqueue_dma source(%arg10 : memref<128x128xf32, #tpu.memory_space<vmem>>) target(%dma_start3A_158 : memref<128x128xf32, #tpu.memory_space<hbm>>) target_semaphore(%arg20 : memref<!tpu.dma_semaphore, #tpu.memory_space<semaphore_mem>>)
      %dma_wait3A_159 = tpu.memref_slice %arg7[%mul3A_94] : memref<2560xi32, #tpu.memory_space<vmem>> -> memref<128xi32, #tpu.memory_space<vmem>>
      %dma_wait3A_160 = arith.constant 0 : i32
      %dma_wait3A_161 = arith.constant 0 : i32
      %dma_wait3A_162 = tpu.memref_slice %arg4[%dma_wait3A_160, %dma_wait3A_161] : memref<100000x128xf32, #tpu.memory_space<hbm>> -> memref<100000x128xf32, #tpu.memory_space<hbm>>
      tpu.wait_indirect_dma semaphore(%arg16 : memref<!tpu.dma_semaphore, #tpu.memory_space<semaphore_mem>>) src(%dma_wait3A_162 : memref<100000x128xf32, #tpu.memory_space<hbm>>) dst(%arg11 : memref<128x128xf32, #tpu.memory_space<vmem>>)
      %mul3A_163 = arith.constant 5 : i32
      %mul3A_164 = arith.muli %scan3A_57, %mul3A_163 : i32
      %add3A_165 = arith.constant 2 : i32
      %add3A_166 = arith.addi %mul3A_164, %add3A_165 : i32
      %mul3A_167 = arith.constant 128 : i32
      %mul3A_168 = arith.muli %add3A_166, %mul3A_167 : i32
      %add3A_169 = arith.addi %mul3A_12, %mul3A_168 : i32
      %dma_start3A_170 = arith.constant 0 : i32
      %dma_start3A_171 = tpu.memref_slice %arg5[%add3A_169, %dma_start3A_170] : memref<81920x128xf32, #tpu.memory_space<hbm>> -> memref<128x128xf32, #tpu.memory_space<hbm>>
      %dma_start3A_172 = arith.constant 0 : i32
      %dma_start3A_173 = tpu.memref_slice %arg5[%add3A_169, %dma_start3A_172] : memref<81920x128xf32, #tpu.memory_space<hbm>> -> memref<128x128xf32, #tpu.memory_space<hbm>>
      tpu.enqueue_dma source(%arg11 : memref<128x128xf32, #tpu.memory_space<vmem>>) target(%dma_start3A_173 : memref<128x128xf32, #tpu.memory_space<hbm>>) target_semaphore(%arg21 : memref<!tpu.dma_semaphore, #tpu.memory_space<semaphore_mem>>)
      %dma_wait3A_174 = tpu.memref_slice %arg7[%mul3A_109] : memref<2560xi32, #tpu.memory_space<vmem>> -> memref<128xi32, #tpu.memory_space<vmem>>
      %dma_wait3A_175 = arith.constant 0 : i32
      %dma_wait3A_176 = arith.constant 0 : i32
      %dma_wait3A_177 = tpu.memref_slice %arg4[%dma_wait3A_175, %dma_wait3A_176] : memref<100000x128xf32, #tpu.memory_space<hbm>> -> memref<100000x128xf32, #tpu.memory_space<hbm>>
      tpu.wait_indirect_dma semaphore(%arg17 : memref<!tpu.dma_semaphore, #tpu.memory_space<semaphore_mem>>) src(%dma_wait3A_177 : memref<100000x128xf32, #tpu.memory_space<hbm>>) dst(%arg12 : memref<128x128xf32, #tpu.memory_space<vmem>>)
      %mul3A_178 = arith.constant 5 : i32
      %mul3A_179 = arith.muli %scan3A_57, %mul3A_178 : i32
      %add3A_180 = arith.constant 3 : i32
      %add3A_181 = arith.addi %mul3A_179, %add3A_180 : i32
      %mul3A_182 = arith.constant 128 : i32
      %mul3A_183 = arith.muli %add3A_181, %mul3A_182 : i32
      %add3A_184 = arith.addi %mul3A_12, %mul3A_183 : i32
      %dma_start3A_185 = arith.constant 0 : i32
      %dma_start3A_186 = tpu.memref_slice %arg5[%add3A_184, %dma_start3A_185] : memref<81920x128xf32, #tpu.memory_space<hbm>> -> memref<128x128xf32, #tpu.memory_space<hbm>>
      %dma_start3A_187 = arith.constant 0 : i32
      %dma_start3A_188 = tpu.memref_slice %arg5[%add3A_184, %dma_start3A_187] : memref<81920x128xf32, #tpu.memory_space<hbm>> -> memref<128x128xf32, #tpu.memory_space<hbm>>
      tpu.enqueue_dma source(%arg12 : memref<128x128xf32, #tpu.memory_space<vmem>>) target(%dma_start3A_188 : memref<128x128xf32, #tpu.memory_space<hbm>>) target_semaphore(%arg22 : memref<!tpu.dma_semaphore, #tpu.memory_space<semaphore_mem>>)
      %dma_wait3A_189 = tpu.memref_slice %arg7[%mul3A_124] : memref<2560xi32, #tpu.memory_space<vmem>> -> memref<128xi32, #tpu.memory_space<vmem>>
      %dma_wait3A_190 = arith.constant 0 : i32
      %dma_wait3A_191 = arith.constant 0 : i32
      %dma_wait3A_192 = tpu.memref_slice %arg4[%dma_wait3A_190, %dma_wait3A_191] : memref<100000x128xf32, #tpu.memory_space<hbm>> -> memref<100000x128xf32, #tpu.memory_space<hbm>>
      tpu.wait_indirect_dma semaphore(%arg18 : memref<!tpu.dma_semaphore, #tpu.memory_space<semaphore_mem>>) src(%dma_wait3A_192 : memref<100000x128xf32, #tpu.memory_space<hbm>>) dst(%arg13 : memref<128x128xf32, #tpu.memory_space<vmem>>)
      %mul3A_193 = arith.constant 5 : i32
      %mul3A_194 = arith.muli %scan3A_57, %mul3A_193 : i32
      %add3A_195 = arith.constant 4 : i32
      %add3A_196 = arith.addi %mul3A_194, %add3A_195 : i32
      %mul3A_197 = arith.constant 128 : i32
      %mul3A_198 = arith.muli %add3A_196, %mul3A_197 : i32
      %add3A_199 = arith.addi %mul3A_12, %mul3A_198 : i32
      %dma_start3A_200 = arith.constant 0 : i32
      %dma_start3A_201 = tpu.memref_slice %arg5[%add3A_199, %dma_start3A_200] : memref<81920x128xf32, #tpu.memory_space<hbm>> -> memref<128x128xf32, #tpu.memory_space<hbm>>
      %dma_start3A_202 = arith.constant 0 : i32
      %dma_start3A_203 = tpu.memref_slice %arg5[%add3A_199, %dma_start3A_202] : memref<81920x128xf32, #tpu.memory_space<hbm>> -> memref<128x128xf32, #tpu.memory_space<hbm>>
      tpu.enqueue_dma source(%arg13 : memref<128x128xf32, #tpu.memory_space<vmem>>) target(%dma_start3A_203 : memref<128x128xf32, #tpu.memory_space<hbm>>) target_semaphore(%arg23 : memref<!tpu.dma_semaphore, #tpu.memory_space<semaphore_mem>>)
    }
    %scan3A_17 = arith.constant 4 : i32
    %mul3A_18 = arith.constant 50 : i32
    %mul3A_19 = arith.muli %add3A, %mul3A_18 : i32
    %mul3A_20 = arith.constant 128 : i32
    %mul3A_21 = arith.muli %mul3A_19, %mul3A_20 : i32
    %scan3A_22 = arith.constant 0 : i32
    %scan3A_23 = arith.constant 0 : i32
    %scan3A_24 = arith.constant 10 : i32
    %scan3A_25 = arith.addi %scan3A_23, %scan3A_24 : i32
    %scan3A_26 = arith.constant 1 : i32
    scf.for %scan3A_57 = %scan3A_23 to %scan3A_25 step %scan3A_26  : i32 {
      %mul3A_58 = arith.constant 5 : i32
      %mul3A_59 = arith.muli %scan3A_57, %mul3A_58 : i32
      %add3A_60 = arith.constant 0 : i32
      %add3A_61 = arith.addi %mul3A_59, %add3A_60 : i32
      %dma_wait3A_62 = arith.constant 0 : i32
      %dma_wait3A_63 = arith.constant 0 : i32
      %dma_wait3A_64 = tpu.memref_slice %arg6[%dma_wait3A_62, %dma_wait3A_63] : memref<204800x128xf32, #tpu.memory_space<hbm>> -> memref<128x128xf32, #tpu.memory_space<hbm>>
      %dma_wait3A_65 = arith.constant 0 : i32
      %dma_wait3A_66 = arith.constant 0 : i32
      %dma_wait3A_67 = tpu.memref_slice %arg6[%dma_wait3A_65, %dma_wait3A_66] : memref<204800x128xf32, #tpu.memory_space<hbm>> -> memref<128x128xf32, #tpu.memory_space<hbm>>
      tpu.wait_dma2 semaphore(%arg19 : memref<!tpu.dma_semaphore, #tpu.memory_space<semaphore_mem>>) src(%arg9 : memref<128x128xf32, #tpu.memory_space<vmem>>) dst(%dma_wait3A_67 : memref<128x128xf32, #tpu.memory_space<hbm>>)
      %mul3A_68 = arith.constant 128 : i32
      %mul3A_69 = arith.muli %add3A_61, %mul3A_68 : i32
      %dma_start3A = tpu.memref_slice %arg8[%mul3A_69] : memref<6400xi32, #tpu.memory_space<vmem>> -> memref<128xi32, #tpu.memory_space<vmem>>
      %dma_start3A_70 = arith.constant 0 : i32
      %dma_start3A_71 = arith.constant 0 : i32
      %dma_start3A_72 = tpu.memref_slice %arg4[%dma_start3A_70, %dma_start3A_71] : memref<100000x128xf32, #tpu.memory_space<hbm>> -> memref<100000x128xf32, #tpu.memory_space<hbm>>
      tpu.enqueue_indirect_dma source(%dma_start3A_72 : memref<100000x128xf32, #tpu.memory_space<hbm>>) target(%arg9 : memref<128x128xf32, #tpu.memory_space<vmem>>) offsets(%dma_start3A : memref<128xi32, #tpu.memory_space<vmem>>) semaphore(%arg14 : memref<!tpu.dma_semaphore, #tpu.memory_space<semaphore_mem>>)
      %mul3A_73 = arith.constant 5 : i32
      %mul3A_74 = arith.muli %scan3A_57, %mul3A_73 : i32
      %add3A_75 = arith.constant 1 : i32
      %add3A_76 = arith.addi %mul3A_74, %add3A_75 : i32
      %dma_wait3A_77 = arith.constant 0 : i32
      %dma_wait3A_78 = arith.constant 0 : i32
      %dma_wait3A_79 = tpu.memref_slice %arg6[%dma_wait3A_77, %dma_wait3A_78] : memref<204800x128xf32, #tpu.memory_space<hbm>> -> memref<128x128xf32, #tpu.memory_space<hbm>>
      %dma_wait3A_80 = arith.constant 0 : i32
      %dma_wait3A_81 = arith.constant 0 : i32
      %dma_wait3A_82 = tpu.memref_slice %arg6[%dma_wait3A_80, %dma_wait3A_81] : memref<204800x128xf32, #tpu.memory_space<hbm>> -> memref<128x128xf32, #tpu.memory_space<hbm>>
      tpu.wait_dma2 semaphore(%arg20 : memref<!tpu.dma_semaphore, #tpu.memory_space<semaphore_mem>>) src(%arg10 : memref<128x128xf32, #tpu.memory_space<vmem>>) dst(%dma_wait3A_82 : memref<128x128xf32, #tpu.memory_space<hbm>>)
      %mul3A_83 = arith.constant 128 : i32
      %mul3A_84 = arith.muli %add3A_76, %mul3A_83 : i32
      %dma_start3A_85 = tpu.memref_slice %arg8[%mul3A_84] : memref<6400xi32, #tpu.memory_space<vmem>> -> memref<128xi32, #tpu.memory_space<vmem>>
      %dma_start3A_86 = arith.constant 0 : i32
      %dma_start3A_87 = arith.constant 0 : i32
      %dma_start3A_88 = tpu.memref_slice %arg4[%dma_start3A_86, %dma_start3A_87] : memref<100000x128xf32, #tpu.memory_space<hbm>> -> memref<100000x128xf32, #tpu.memory_space<hbm>>
      tpu.enqueue_indirect_dma source(%dma_start3A_88 : memref<100000x128xf32, #tpu.memory_space<hbm>>) target(%arg10 : memref<128x128xf32, #tpu.memory_space<vmem>>) offsets(%dma_start3A_85 : memref<128xi32, #tpu.memory_space<vmem>>) semaphore(%arg15 : memref<!tpu.dma_semaphore, #tpu.memory_space<semaphore_mem>>)
      %mul3A_89 = arith.constant 5 : i32
      %mul3A_90 = arith.muli %scan3A_57, %mul3A_89 : i32
      %add3A_91 = arith.constant 2 : i32
      %add3A_92 = arith.addi %mul3A_90, %add3A_91 : i32
      %dma_wait3A_93 = arith.constant 0 : i32
      %dma_wait3A_94 = arith.constant 0 : i32
      %dma_wait3A_95 = tpu.memref_slice %arg6[%dma_wait3A_93, %dma_wait3A_94] : memref<204800x128xf32, #tpu.memory_space<hbm>> -> memref<128x128xf32, #tpu.memory_space<hbm>>
      %dma_wait3A_96 = arith.constant 0 : i32
      %dma_wait3A_97 = arith.constant 0 : i32
      %dma_wait3A_98 = tpu.memref_slice %arg6[%dma_wait3A_96, %dma_wait3A_97] : memref<204800x128xf32, #tpu.memory_space<hbm>> -> memref<128x128xf32, #tpu.memory_space<hbm>>
      tpu.wait_dma2 semaphore(%arg21 : memref<!tpu.dma_semaphore, #tpu.memory_space<semaphore_mem>>) src(%arg11 : memref<128x128xf32, #tpu.memory_space<vmem>>) dst(%dma_wait3A_98 : memref<128x128xf32, #tpu.memory_space<hbm>>)
      %mul3A_99 = arith.constant 128 : i32
      %mul3A_100 = arith.muli %add3A_92, %mul3A_99 : i32
      %dma_start3A_101 = tpu.memref_slice %arg8[%mul3A_100] : memref<6400xi32, #tpu.memory_space<vmem>> -> memref<128xi32, #tpu.memory_space<vmem>>
      %dma_start3A_102 = arith.constant 0 : i32
      %dma_start3A_103 = arith.constant 0 : i32
      %dma_start3A_104 = tpu.memref_slice %arg4[%dma_start3A_102, %dma_start3A_103] : memref<100000x128xf32, #tpu.memory_space<hbm>> -> memref<100000x128xf32, #tpu.memory_space<hbm>>
      tpu.enqueue_indirect_dma source(%dma_start3A_104 : memref<100000x128xf32, #tpu.memory_space<hbm>>) target(%arg11 : memref<128x128xf32, #tpu.memory_space<vmem>>) offsets(%dma_start3A_101 : memref<128xi32, #tpu.memory_space<vmem>>) semaphore(%arg16 : memref<!tpu.dma_semaphore, #tpu.memory_space<semaphore_mem>>)
      %mul3A_105 = arith.constant 5 : i32
      %mul3A_106 = arith.muli %scan3A_57, %mul3A_105 : i32
      %add3A_107 = arith.constant 3 : i32
      %add3A_108 = arith.addi %mul3A_106, %add3A_107 : i32
      %dma_wait3A_109 = arith.constant 0 : i32
      %dma_wait3A_110 = arith.constant 0 : i32
      %dma_wait3A_111 = tpu.memref_slice %arg6[%dma_wait3A_109, %dma_wait3A_110] : memref<204800x128xf32, #tpu.memory_space<hbm>> -> memref<128x128xf32, #tpu.memory_space<hbm>>
      %dma_wait3A_112 = arith.constant 0 : i32
      %dma_wait3A_113 = arith.constant 0 : i32
      %dma_wait3A_114 = tpu.memref_slice %arg6[%dma_wait3A_112, %dma_wait3A_113] : memref<204800x128xf32, #tpu.memory_space<hbm>> -> memref<128x128xf32, #tpu.memory_space<hbm>>
      tpu.wait_dma2 semaphore(%arg22 : memref<!tpu.dma_semaphore, #tpu.memory_space<semaphore_mem>>) src(%arg12 : memref<128x128xf32, #tpu.memory_space<vmem>>) dst(%dma_wait3A_114 : memref<128x128xf32, #tpu.memory_space<hbm>>)
      %mul3A_115 = arith.constant 128 : i32
      %mul3A_116 = arith.muli %add3A_108, %mul3A_115 : i32
      %dma_start3A_117 = tpu.memref_slice %arg8[%mul3A_116] : memref<6400xi32, #tpu.memory_space<vmem>> -> memref<128xi32, #tpu.memory_space<vmem>>
      %dma_start3A_118 = arith.constant 0 : i32
      %dma_start3A_119 = arith.constant 0 : i32
      %dma_start3A_120 = tpu.memref_slice %arg4[%dma_start3A_118, %dma_start3A_119] : memref<100000x128xf32, #tpu.memory_space<hbm>> -> memref<100000x128xf32, #tpu.memory_space<hbm>>
      tpu.enqueue_indirect_dma source(%dma_start3A_120 : memref<100000x128xf32, #tpu.memory_space<hbm>>) target(%arg12 : memref<128x128xf32, #tpu.memory_space<vmem>>) offsets(%dma_start3A_117 : memref<128xi32, #tpu.memory_space<vmem>>) semaphore(%arg17 : memref<!tpu.dma_semaphore, #tpu.memory_space<semaphore_mem>>)
      %mul3A_121 = arith.constant 5 : i32
      %mul3A_122 = arith.muli %scan3A_57, %mul3A_121 : i32
      %add3A_123 = arith.constant 4 : i32
      %add3A_124 = arith.addi %mul3A_122, %add3A_123 : i32
      %dma_wait3A_125 = arith.constant 0 : i32
      %dma_wait3A_126 = arith.constant 0 : i32
      %dma_wait3A_127 = tpu.memref_slice %arg6[%dma_wait3A_125, %dma_wait3A_126] : memref<204800x128xf32, #tpu.memory_space<hbm>> -> memref<128x128xf32, #tpu.memory_space<hbm>>
      %dma_wait3A_128 = arith.constant 0 : i32
      %dma_wait3A_129 = arith.constant 0 : i32
      %dma_wait3A_130 = tpu.memref_slice %arg6[%dma_wait3A_128, %dma_wait3A_129] : memref<204800x128xf32, #tpu.memory_space<hbm>> -> memref<128x128xf32, #tpu.memory_space<hbm>>
      tpu.wait_dma2 semaphore(%arg23 : memref<!tpu.dma_semaphore, #tpu.memory_space<semaphore_mem>>) src(%arg13 : memref<128x128xf32, #tpu.memory_space<vmem>>) dst(%dma_wait3A_130 : memref<128x128xf32, #tpu.memory_space<hbm>>)
      %mul3A_131 = arith.constant 128 : i32
      %mul3A_132 = arith.muli %add3A_124, %mul3A_131 : i32
      %dma_start3A_133 = tpu.memref_slice %arg8[%mul3A_132] : memref<6400xi32, #tpu.memory_space<vmem>> -> memref<128xi32, #tpu.memory_space<vmem>>
      %dma_start3A_134 = arith.constant 0 : i32
      %dma_start3A_135 = arith.constant 0 : i32
      %dma_start3A_136 = tpu.memref_slice %arg4[%dma_start3A_134, %dma_start3A_135] : memref<100000x128xf32, #tpu.memory_space<hbm>> -> memref<100000x128xf32, #tpu.memory_space<hbm>>
      tpu.enqueue_indirect_dma source(%dma_start3A_136 : memref<100000x128xf32, #tpu.memory_space<hbm>>) target(%arg13 : memref<128x128xf32, #tpu.memory_space<vmem>>) offsets(%dma_start3A_133 : memref<128xi32, #tpu.memory_space<vmem>>) semaphore(%arg18 : memref<!tpu.dma_semaphore, #tpu.memory_space<semaphore_mem>>)
      %dma_wait3A_137 = tpu.memref_slice %arg8[%mul3A_69] : memref<6400xi32, #tpu.memory_space<vmem>> -> memref<128xi32, #tpu.memory_space<vmem>>
      %dma_wait3A_138 = arith.constant 0 : i32
      %dma_wait3A_139 = arith.constant 0 : i32
      %dma_wait3A_140 = tpu.memref_slice %arg4[%dma_wait3A_138, %dma_wait3A_139] : memref<100000x128xf32, #tpu.memory_space<hbm>> -> memref<100000x128xf32, #tpu.memory_space<hbm>>
      tpu.wait_indirect_dma semaphore(%arg14 : memref<!tpu.dma_semaphore, #tpu.memory_space<semaphore_mem>>) src(%dma_wait3A_140 : memref<100000x128xf32, #tpu.memory_space<hbm>>) dst(%arg9 : memref<128x128xf32, #tpu.memory_space<vmem>>)
      %mul3A_141 = arith.constant 5 : i32
      %mul3A_142 = arith.muli %scan3A_57, %mul3A_141 : i32
      %add3A_143 = arith.constant 0 : i32
      %add3A_144 = arith.addi %mul3A_142, %add3A_143 : i32
      %mul3A_145 = arith.constant 128 : i32
      %mul3A_146 = arith.muli %add3A_144, %mul3A_145 : i32
      %add3A_147 = arith.addi %mul3A_21, %mul3A_146 : i32
      %dma_start3A_148 = arith.constant 0 : i32
      %dma_start3A_149 = tpu.memref_slice %arg6[%add3A_147, %dma_start3A_148] : memref<204800x128xf32, #tpu.memory_space<hbm>> -> memref<128x128xf32, #tpu.memory_space<hbm>>
      %dma_start3A_150 = arith.constant 0 : i32
      %dma_start3A_151 = tpu.memref_slice %arg6[%add3A_147, %dma_start3A_150] : memref<204800x128xf32, #tpu.memory_space<hbm>> -> memref<128x128xf32, #tpu.memory_space<hbm>>
      tpu.enqueue_dma source(%arg9 : memref<128x128xf32, #tpu.memory_space<vmem>>) target(%dma_start3A_151 : memref<128x128xf32, #tpu.memory_space<hbm>>) target_semaphore(%arg19 : memref<!tpu.dma_semaphore, #tpu.memory_space<semaphore_mem>>)
      %dma_wait3A_152 = tpu.memref_slice %arg8[%mul3A_84] : memref<6400xi32, #tpu.memory_space<vmem>> -> memref<128xi32, #tpu.memory_space<vmem>>
      %dma_wait3A_153 = arith.constant 0 : i32
      %dma_wait3A_154 = arith.constant 0 : i32
      %dma_wait3A_155 = tpu.memref_slice %arg4[%dma_wait3A_153, %dma_wait3A_154] : memref<100000x128xf32, #tpu.memory_space<hbm>> -> memref<100000x128xf32, #tpu.memory_space<hbm>>
      tpu.wait_indirect_dma semaphore(%arg15 : memref<!tpu.dma_semaphore, #tpu.memory_space<semaphore_mem>>) src(%dma_wait3A_155 : memref<100000x128xf32, #tpu.memory_space<hbm>>) dst(%arg10 : memref<128x128xf32, #tpu.memory_space<vmem>>)
      %mul3A_156 = arith.constant 5 : i32
      %mul3A_157 = arith.muli %scan3A_57, %mul3A_156 : i32
      %add3A_158 = arith.constant 1 : i32
      %add3A_159 = arith.addi %mul3A_157, %add3A_158 : i32
      %mul3A_160 = arith.constant 128 : i32
      %mul3A_161 = arith.muli %add3A_159, %mul3A_160 : i32
      %add3A_162 = arith.addi %mul3A_21, %mul3A_161 : i32
      %dma_start3A_163 = arith.constant 0 : i32
      %dma_start3A_164 = tpu.memref_slice %arg6[%add3A_162, %dma_start3A_163] : memref<204800x128xf32, #tpu.memory_space<hbm>> -> memref<128x128xf32, #tpu.memory_space<hbm>>
      %dma_start3A_165 = arith.constant 0 : i32
      %dma_start3A_166 = tpu.memref_slice %arg6[%add3A_162, %dma_start3A_165] : memref<204800x128xf32, #tpu.memory_space<hbm>> -> memref<128x128xf32, #tpu.memory_space<hbm>>
      tpu.enqueue_dma source(%arg10 : memref<128x128xf32, #tpu.memory_space<vmem>>) target(%dma_start3A_166 : memref<128x128xf32, #tpu.memory_space<hbm>>) target_semaphore(%arg20 : memref<!tpu.dma_semaphore, #tpu.memory_space<semaphore_mem>>)
      %dma_wait3A_167 = tpu.memref_slice %arg8[%mul3A_100] : memref<6400xi32, #tpu.memory_space<vmem>> -> memref<128xi32, #tpu.memory_space<vmem>>
      %dma_wait3A_168 = arith.constant 0 : i32
      %dma_wait3A_169 = arith.constant 0 : i32
      %dma_wait3A_170 = tpu.memref_slice %arg4[%dma_wait3A_168, %dma_wait3A_169] : memref<100000x128xf32, #tpu.memory_space<hbm>> -> memref<100000x128xf32, #tpu.memory_space<hbm>>
      tpu.wait_indirect_dma semaphore(%arg16 : memref<!tpu.dma_semaphore, #tpu.memory_space<semaphore_mem>>) src(%dma_wait3A_170 : memref<100000x128xf32, #tpu.memory_space<hbm>>) dst(%arg11 : memref<128x128xf32, #tpu.memory_space<vmem>>)
      %mul3A_171 = arith.constant 5 : i32
      %mul3A_172 = arith.muli %scan3A_57, %mul3A_171 : i32
      %add3A_173 = arith.constant 2 : i32
      %add3A_174 = arith.addi %mul3A_172, %add3A_173 : i32
      %mul3A_175 = arith.constant 128 : i32
      %mul3A_176 = arith.muli %add3A_174, %mul3A_175 : i32
      %add3A_177 = arith.addi %mul3A_21, %mul3A_176 : i32
      %dma_start3A_178 = arith.constant 0 : i32
      %dma_start3A_179 = tpu.memref_slice %arg6[%add3A_177, %dma_start3A_178] : memref<204800x128xf32, #tpu.memory_space<hbm>> -> memref<128x128xf32, #tpu.memory_space<hbm>>
      %dma_start3A_180 = arith.constant 0 : i32
      %dma_start3A_181 = tpu.memref_slice %arg6[%add3A_177, %dma_start3A_180] : memref<204800x128xf32, #tpu.memory_space<hbm>> -> memref<128x128xf32, #tpu.memory_space<hbm>>
      tpu.enqueue_dma source(%arg11 : memref<128x128xf32, #tpu.memory_space<vmem>>) target(%dma_start3A_181 : memref<128x128xf32, #tpu.memory_space<hbm>>) target_semaphore(%arg21 : memref<!tpu.dma_semaphore, #tpu.memory_space<semaphore_mem>>)
      %dma_wait3A_182 = tpu.memref_slice %arg8[%mul3A_116] : memref<6400xi32, #tpu.memory_space<vmem>> -> memref<128xi32, #tpu.memory_space<vmem>>
      %dma_wait3A_183 = arith.constant 0 : i32
      %dma_wait3A_184 = arith.constant 0 : i32
      %dma_wait3A_185 = tpu.memref_slice %arg4[%dma_wait3A_183, %dma_wait3A_184] : memref<100000x128xf32, #tpu.memory_space<hbm>> -> memref<100000x128xf32, #tpu.memory_space<hbm>>
      tpu.wait_indirect_dma semaphore(%arg17 : memref<!tpu.dma_semaphore, #tpu.memory_space<semaphore_mem>>) src(%dma_wait3A_185 : memref<100000x128xf32, #tpu.memory_space<hbm>>) dst(%arg12 : memref<128x128xf32, #tpu.memory_space<vmem>>)
      %mul3A_186 = arith.constant 5 : i32
      %mul3A_187 = arith.muli %scan3A_57, %mul3A_186 : i32
      %add3A_188 = arith.constant 3 : i32
      %add3A_189 = arith.addi %mul3A_187, %add3A_188 : i32
      %mul3A_190 = arith.constant 128 : i32
      %mul3A_191 = arith.muli %add3A_189, %mul3A_190 : i32
      %add3A_192 = arith.addi %mul3A_21, %mul3A_191 : i32
      %dma_start3A_193 = arith.constant 0 : i32
      %dma_start3A_194 = tpu.memref_slice %arg6[%add3A_192, %dma_start3A_193] : memref<204800x128xf32, #tpu.memory_space<hbm>> -> memref<128x128xf32, #tpu.memory_space<hbm>>
      %dma_start3A_195 = arith.constant 0 : i32
      %dma_start3A_196 = tpu.memref_slice %arg6[%add3A_192, %dma_start3A_195] : memref<204800x128xf32, #tpu.memory_space<hbm>> -> memref<128x128xf32, #tpu.memory_space<hbm>>
      tpu.enqueue_dma source(%arg12 : memref<128x128xf32, #tpu.memory_space<vmem>>) target(%dma_start3A_196 : memref<128x128xf32, #tpu.memory_space<hbm>>) target_semaphore(%arg22 : memref<!tpu.dma_semaphore, #tpu.memory_space<semaphore_mem>>)
      %dma_wait3A_197 = tpu.memref_slice %arg8[%mul3A_132] : memref<6400xi32, #tpu.memory_space<vmem>> -> memref<128xi32, #tpu.memory_space<vmem>>
      %dma_wait3A_198 = arith.constant 0 : i32
      %dma_wait3A_199 = arith.constant 0 : i32
      %dma_wait3A_200 = tpu.memref_slice %arg4[%dma_wait3A_198, %dma_wait3A_199] : memref<100000x128xf32, #tpu.memory_space<hbm>> -> memref<100000x128xf32, #tpu.memory_space<hbm>>
      tpu.wait_indirect_dma semaphore(%arg18 : memref<!tpu.dma_semaphore, #tpu.memory_space<semaphore_mem>>) src(%dma_wait3A_200 : memref<100000x128xf32, #tpu.memory_space<hbm>>) dst(%arg13 : memref<128x128xf32, #tpu.memory_space<vmem>>)
      %mul3A_201 = arith.constant 5 : i32
      %mul3A_202 = arith.muli %scan3A_57, %mul3A_201 : i32
      %add3A_203 = arith.constant 4 : i32
      %add3A_204 = arith.addi %mul3A_202, %add3A_203 : i32
      %mul3A_205 = arith.constant 128 : i32
      %mul3A_206 = arith.muli %add3A_204, %mul3A_205 : i32
      %add3A_207 = arith.addi %mul3A_21, %mul3A_206 : i32
      %dma_start3A_208 = arith.constant 0 : i32
      %dma_start3A_209 = tpu.memref_slice %arg6[%add3A_207, %dma_start3A_208] : memref<204800x128xf32, #tpu.memory_space<hbm>> -> memref<128x128xf32, #tpu.memory_space<hbm>>
      %dma_start3A_210 = arith.constant 0 : i32
      %dma_start3A_211 = tpu.memref_slice %arg6[%add3A_207, %dma_start3A_210] : memref<204800x128xf32, #tpu.memory_space<hbm>> -> memref<128x128xf32, #tpu.memory_space<hbm>>
      tpu.enqueue_dma source(%arg13 : memref<128x128xf32, #tpu.memory_space<vmem>>) target(%dma_start3A_211 : memref<128x128xf32, #tpu.memory_space<hbm>>) target_semaphore(%arg23 : memref<!tpu.dma_semaphore, #tpu.memory_space<semaphore_mem>>)
    }
    %scan3A_27 = arith.constant 10 : i32
    %dma_wait3A = arith.constant 0 : i32
    %dma_wait3A_28 = arith.constant 0 : i32
    %dma_wait3A_29 = tpu.memref_slice %arg6[%dma_wait3A, %dma_wait3A_28] : memref<204800x128xf32, #tpu.memory_space<hbm>> -> memref<128x128xf32, #tpu.memory_space<hbm>>
    %dma_wait3A_30 = arith.constant 0 : i32
    %dma_wait3A_31 = arith.constant 0 : i32
    %dma_wait3A_32 = tpu.memref_slice %arg6[%dma_wait3A_30, %dma_wait3A_31] : memref<204800x128xf32, #tpu.memory_space<hbm>> -> memref<128x128xf32, #tpu.memory_space<hbm>>
    tpu.wait_dma2 semaphore(%arg19 : memref<!tpu.dma_semaphore, #tpu.memory_space<semaphore_mem>>) src(%arg9 : memref<128x128xf32, #tpu.memory_space<vmem>>) dst(%dma_wait3A_32 : memref<128x128xf32, #tpu.memory_space<hbm>>)
    %dma_wait3A_33 = arith.constant 0 : i32
    %dma_wait3A_34 = arith.constant 0 : i32
    %dma_wait3A_35 = tpu.memref_slice %arg6[%dma_wait3A_33, %dma_wait3A_34] : memref<204800x128xf32, #tpu.memory_space<hbm>> -> memref<128x128xf32, #tpu.memory_space<hbm>>
    %dma_wait3A_36 = arith.constant 0 : i32
    %dma_wait3A_37 = arith.constant 0 : i32
    %dma_wait3A_38 = tpu.memref_slice %arg6[%dma_wait3A_36, %dma_wait3A_37] : memref<204800x128xf32, #tpu.memory_space<hbm>> -> memref<128x128xf32, #tpu.memory_space<hbm>>
    tpu.wait_dma2 semaphore(%arg20 : memref<!tpu.dma_semaphore, #tpu.memory_space<semaphore_mem>>) src(%arg10 : memref<128x128xf32, #tpu.memory_space<vmem>>) dst(%dma_wait3A_38 : memref<128x128xf32, #tpu.memory_space<hbm>>)
    %dma_wait3A_39 = arith.constant 0 : i32
    %dma_wait3A_40 = arith.constant 0 : i32
    %dma_wait3A_41 = tpu.memref_slice %arg6[%dma_wait3A_39, %dma_wait3A_40] : memref<204800x128xf32, #tpu.memory_space<hbm>> -> memref<128x128xf32, #tpu.memory_space<hbm>>
    %dma_wait3A_42 = arith.constant 0 : i32
    %dma_wait3A_43 = arith.constant 0 : i32
    %dma_wait3A_44 = tpu.memref_slice %arg6[%dma_wait3A_42, %dma_wait3A_43] : memref<204800x128xf32, #tpu.memory_space<hbm>> -> memref<128x128xf32, #tpu.memory_space<hbm>>
    tpu.wait_dma2 semaphore(%arg21 : memref<!tpu.dma_semaphore, #tpu.memory_space<semaphore_mem>>) src(%arg11 : memref<128x128xf32, #tpu.memory_space<vmem>>) dst(%dma_wait3A_44 : memref<128x128xf32, #tpu.memory_space<hbm>>)
    %dma_wait3A_45 = arith.constant 0 : i32
    %dma_wait3A_46 = arith.constant 0 : i32
    %dma_wait3A_47 = tpu.memref_slice %arg6[%dma_wait3A_45, %dma_wait3A_46] : memref<204800x128xf32, #tpu.memory_space<hbm>> -> memref<128x128xf32, #tpu.memory_space<hbm>>
    %dma_wait3A_48 = arith.constant 0 : i32
    %dma_wait3A_49 = arith.constant 0 : i32
    %dma_wait3A_50 = tpu.memref_slice %arg6[%dma_wait3A_48, %dma_wait3A_49] : memref<204800x128xf32, #tpu.memory_space<hbm>> -> memref<128x128xf32, #tpu.memory_space<hbm>>
    tpu.wait_dma2 semaphore(%arg22 : memref<!tpu.dma_semaphore, #tpu.memory_space<semaphore_mem>>) src(%arg12 : memref<128x128xf32, #tpu.memory_space<vmem>>) dst(%dma_wait3A_50 : memref<128x128xf32, #tpu.memory_space<hbm>>)
    %dma_wait3A_51 = arith.constant 0 : i32
    %dma_wait3A_52 = arith.constant 0 : i32
    %dma_wait3A_53 = tpu.memref_slice %arg6[%dma_wait3A_51, %dma_wait3A_52] : memref<204800x128xf32, #tpu.memory_space<hbm>> -> memref<128x128xf32, #tpu.memory_space<hbm>>
    %dma_wait3A_54 = arith.constant 0 : i32
    %dma_wait3A_55 = arith.constant 0 : i32
    %dma_wait3A_56 = tpu.memref_slice %arg6[%dma_wait3A_54, %dma_wait3A_55] : memref<204800x128xf32, #tpu.memory_space<hbm>> -> memref<128x128xf32, #tpu.memory_space<hbm>>
    tpu.wait_dma2 semaphore(%arg23 : memref<!tpu.dma_semaphore, #tpu.memory_space<semaphore_mem>>) src(%arg13 : memref<128x128xf32, #tpu.memory_space<vmem>>) dst(%dma_wait3A_56 : memref<128x128xf32, #tpu.memory_space<hbm>>)
    return
  }
}

module attributes {stable_mosaic.version = 14 : i64} {
  func.func @body(%arg0: i32, %arg1: memref<20x512xi32, #tpu.memory_space<vmem>>, %arg2: memref<50x512xi32, #tpu.memory_space<vmem>>, %arg3: memref<20x512xf32, #tpu.memory_space<vmem>>, %arg4: memref<50x512xf32, #tpu.memory_space<vmem>>) attributes {dimension_semantics = [#tpu.dimension_semantics<arbitrary>], iteration_bounds = array<i64: 8>, scalar_prefetch = 0 : i64, scratch_operands = 0 : i64, tpu.core_type = #tpu.core_type<tc>, window_params = [{transform_indices = @transform_0, window_bounds = array<i64: 20, 512>}, {transform_indices = @transform_1, window_bounds = array<i64: 50, 512>}, {transform_indices = @transform_2, window_bounds = array<i64: 20, 512>}, {transform_indices = @transform_3, window_bounds = array<i64: 50, 512>}]} {
    %get3A = arith.constant 0 : index
    %get3A_0 = arith.constant 0 : index
    %get3A_1 = vector.load %arg1[%get3A, %get3A_0] : memref<20x512xi32, #tpu.memory_space<vmem>>, vector<20x512xi32>
    %convert_element_type3A = arith.sitofp %get3A_1 : vector<20x512xi32> to vector<20x512xf32>
    %reduce_max3A = arith.constant dense<0xFF800000> : vector<512xf32>
    %reduce_max3A_2 = vector.multi_reduction <maximumf>, %convert_element_type3A, %reduce_max3A [0] : vector<20x512xf32> to vector<512xf32>
    %broadcast_in_dim3A = vector.shape_cast %reduce_max3A_2 : vector<512xf32> to vector<1x512xf32>
    %div3A = vector.broadcast %broadcast_in_dim3A : vector<1x512xf32> to vector<20x512xf32>
    %div3A_3 = arith.divf %convert_element_type3A, %div3A : vector<20x512xf32>
    %ceil3A = math.ceil %div3A_3 : vector<20x512xf32>
    %swap3A = arith.constant 0 : index
    %swap3A_4 = arith.constant 0 : index
    %swap3A_5 = vector.load %arg3[%swap3A, %swap3A_4] : memref<20x512xf32, #tpu.memory_space<vmem>>, vector<20x512xf32>
    tpu.vector_store %arg3[%swap3A, %swap3A_4], %ceil3A {strides = array<i32>} : memref<20x512xf32, #tpu.memory_space<vmem>>, vector<20x512xf32>,
    %get3A_6 = arith.constant 0 : index
    %get3A_7 = arith.constant 0 : index
    %get3A_8 = vector.load %arg2[%get3A_6, %get3A_7] : memref<50x512xi32, #tpu.memory_space<vmem>>, vector<50x512xi32>
    %convert_element_type3A_9 = arith.sitofp %get3A_8 : vector<50x512xi32> to vector<50x512xf32>
    %reduce_max3A_10 = arith.constant dense<0xFF800000> : vector<512xf32>
    %reduce_max3A_11 = vector.multi_reduction <maximumf>, %convert_element_type3A_9, %reduce_max3A_10 [0] : vector<50x512xf32> to vector<512xf32>
    %broadcast_in_dim3A_12 = vector.shape_cast %reduce_max3A_11 : vector<512xf32> to vector<1x512xf32>
    %div3A_13 = vector.broadcast %broadcast_in_dim3A_12 : vector<1x512xf32> to vector<50x512xf32>
    %div3A_14 = arith.divf %convert_element_type3A_9, %div3A_13 : vector<50x512xf32>
    %ceil3A_15 = math.ceil %div3A_14 : vector<50x512xf32>
    %swap3A_16 = arith.constant 0 : index
    %swap3A_17 = arith.constant 0 : index
    %swap3A_18 = vector.load %arg4[%swap3A_16, %swap3A_17] : memref<50x512xf32, #tpu.memory_space<vmem>>, vector<50x512xf32>
    tpu.vector_store %arg4[%swap3A_16, %swap3A_17], %ceil3A_15 {strides = array<i32>} : memref<50x512xf32, #tpu.memory_space<vmem>>, vector<50x512xf32>,
    return
  }
  func.func @transform_0(%arg0: i32) -> (i32, i32) {
    %c0_i32 = arith.constant 0 : i32
    %c0_i32_0 = arith.constant 0 : i32
    return %c0_i32, %arg0 : i32, i32
  }
  func.func @transform_1(%arg0: i32) -> (i32, i32) {
    %c0_i32 = arith.constant 0 : i32
    %c0_i32_0 = arith.constant 0 : i32
    return %c0_i32, %arg0 : i32, i32
  }
  func.func @transform_2(%arg0: i32) -> (i32, i32) {
    %c0_i32 = arith.constant 0 : i32
    %c0_i32_0 = arith.constant 0 : i32
    return %c0_i32, %arg0 : i32, i32
  }
  func.func @transform_3(%arg0: i32) -> (i32, i32) {
    %c0_i32 = arith.constant 0 : i32
    %c0_i32_0 = arith.constant 0 : i32
    return %c0_i32, %arg0 : i32, i32
  }
}

</mosaic_0001>

<sc_bundles>
// kernel: kernel.4.cloned.1.call-start
scs
__scs_entry_jumppad:
0x0: {  	(pc) =	sbr.rel $0x88, $3  }
0x1: {  	(tag) =	ssettag $0x0;
	lr =	simm.s32 $0x1  }
0x2: {  	[smem:$0x3F9E] =	sst lr;
	_ =	strace $0xD0000000  }
0x3: {  	_ = 	snop  }
0x4: {  	_ = 	snop  }
0x5: {  	_ = 	snop  }
0x6: {  	_ = 	snop  }
0x7: {  	_ = 	snop  }
__scs_overlays_trampoline_lowered:
0x8: {  	[smem:$0x3FAD] =	sst s0  }
0x9: {  	[smem:$0x3FAE] =	sst s1  }
0xa: {  	[smem:$0x3FAF] =	sst s2  }
0xb: {  	[smem:$0x3FB0] =	sst s3  }
0xc: {  	[smem:$0x3FB1] =	sst s4  }
0xd: {  	[smem:$0x3FB2] =	sst s5  }
0xe: {  	[smem:$0x3FB3] =	sst s6  }
0xf: {  	[smem:$0x3FB4] =	sst s7  }
0x10: {  	[smem:$0x3FB5] =	sst s8  }
0x11: {  	[smem:$0x3FB6] =	sst s9;
	s0 =	simm.s32 @!p0 $0x0  }
0x12: {  	s1 =	sld [smem:$0x3F9C];
	s0 =	simm.s32 @p0 $0x1  }
0x13: {  	[smem:$0x3FB7] =	sst s0;
	s0 =	simm.s32 @!p1 $0x0  }
0x14: {  	s2 =	sld [smem:$0x3F9B];
	s0 =	simm.s32 @p1 $0x1  }
0x15: {  	[smem:$0x3FB8] =	sst s0;
	s0 =	simm.s32 @!p2 $0x0  }
0x16: {  	s3 =	sld [smem:$0x3FDB];
	s0 =	simm.s32 @p2 $0x1  }
0x17: {  	s4 =	simm.s32 $0x1BF5;
	[smem:$0x3FBA] =	sst s0  }
0x18: {  	s0 =	sld [smem:$0x3F9D];
	_ =	swait.ge [sflag:s4], $0x0  }
0x19: {  	s7 =	sld [smem:$0x3F9E]  }
0x1a: {  	s8 =	sadd.s32 $0xFFFFE003, lr  }
0x1b: {  	s9 =	sadd.s32 $0xFFFFFEF7, lr;
	s5 =	simm.s32 $0xFFFFFFFF;
	p2 =	slt.u32 s8, $0xFFFFF086  }
0x1c: {  	p1 =	slt.u32 s9, $0xF7A;
	s5 =	simm.s32 @!p2 $0x0  }
0x1d: {  	s5 =	simm.s32 @p1 $0x1;
	p0 =	seq.s32 s7, s2  }
0x1e: {  	s7 =	smul.u32 @!p0 $0xF7A, s2;
	p2 =	seq.s32 @!p0 s5, $0x0  }
0x1f: {  	s9 =	smul.u32 $0xF7A, s1;
	s8 =	simm.s32 @!p0 $0x1BF5;
	p2 =	por !p2, p0  }
0x20: {  	[sflag:s8] =	ssyncset.s32 @!p0 $0xFFFFF086;
	s6 =	sadd.s32 @!p0 s3, s7;
	s7 =	simm.s32 @!p0 $0x108  }
0x21: {  	s3 =	sadd.s32 s3, s9;
	s6 =	sadd.s32 @!p0 $0x88, s6;
	s7 =	simm.s32 @p2 $0x1082  }
0x22: {  	[simem:s7], [sflag:s8] =	dma.local @!p0 [hbm:s6], $0xF7A  }
0x23: {  	s9 =	sor.u32 $0xD0000000, s2;
	s6 =	simm.s32 $0x108;
	_ =	swait.ge @!p0 [sflag:s8], $0x0  }
0x24: {  	s3 =	sadd.s32 $0x88, s3;
	s6 =	simm.s32 @!p1 $0x1082;
	[sflag:s4] =	ssyncset.s32 $0xFFFFF086  }
0x25: {  	[simem:s6], [sflag:s4] =	dma.local [hbm:s3], $0xF7A  }
0x26: {  	[smem:$0x3F9E] =	sst s1;
	(tag) =	ssettag s2;
	_ =	strace s9  }
0x27: {  	s1 =	sld [smem:$0x3FAE]  }
0x28: {  	s2 =	sld [smem:$0x3FAF]  }
0x29: {  	s4 =	sld [smem:$0x3FB1]  }
0x2a: {  	p0 =	seq.s32 s5, $0x0;
	s5 =	sld [smem:$0x3FB2]  }
0x2b: {  	s6 =	sld [smem:$0x3FB3]  }
0x2c: {  	s7 =	sld [smem:$0x3FB4]  }
0x2d: {  	s3 =	simm.s32 $0x108;
	s8 =	sld [smem:$0x3FB5]  }
0x2e: {  	s3 =	simm.s32 @!p0 $0x1082;
	s9 =	sld [smem:$0x3FB6]  }
0x2f: {  	lr =	sadd.s32 s0, s3;
	s0 =	sld [smem:$0x3FAD]  }
0x30: {  	s3 =	sld [smem:$0x3FB0]  }
0x31: {  	[smem:$0x3FB9] =	sst s10  }
0x32: {  	s10 =	sld [smem:$0x3FB7];
	_ =	sdelay $0x3  }
0x33: {  	p0 =	seq.s32 s10, $0x1;
	s10 =	sld [smem:$0x3FB9];
	_ =	sdelay $0x3  }
0x34: {  	[smem:$0x3FB9] =	sst s10  }
0x35: {  	s10 =	sld [smem:$0x3FB8];
	_ =	sdelay $0x3  }
0x36: {  	p1 =	seq.s32 s10, $0x1;
	s10 =	sld [smem:$0x3FB9];
	_ =	sdelay $0x3  }
0x37: {  	[smem:$0x3FB9] =	sst s10  }
0x38: {  	s10 =	sld [smem:$0x3FBA]  }
0x39: {  	_ = 	snop;
	(pc) =	sbr.ind lr, $3  }
0x3a: {  	_ = 	snop  }
0x3b: {  	_ = 	snop  }
0x3c: {  	p2 =	seq.s32 s10, $0x1;
	s10 =	sld [smem:$0x3FB9]  }
0x3d: {  	_ =	shalt  }
0x3e: {  	_ =	shalt  }
0x3f: {  	_ =	shalt  }
0x40: {  	_ =	shalt  }
0x41: {  	_ =	shalt  }
0x42: {  	_ =	shalt  }
0x43: {  	_ =	shalt  }
0x44: {  	_ =	shalt  }
0x45: {  	_ =	shalt  }
0x46: {  	_ =	shalt  }
0x47: {  	_ =	shalt  }
0x48: {  	_ =	shalt  }
0x49: {  	_ =	shalt  }
0x4a: {  	_ =	shalt  }
0x4b: {  	_ =	shalt  }
0x4c: {  	_ =	shalt  }
0x4d: {  	_ =	shalt  }
0x4e: {  	_ =	shalt  }
0x4f: {  	_ =	shalt  }
0x50: {  	_ =	shalt  }
0x51: {  	_ =	shalt  }
0x52: {  	_ =	shalt  }
0x53: {  	_ =	shalt  }
0x54: {  	_ =	shalt  }
0x55: {  	_ =	shalt  }
0x56: {  	_ =	shalt  }
0x57: {  	_ =	shalt  }
0x58: {  	_ =	shalt  }
0x59: {  	_ =	shalt  }
0x5a: {  	_ =	shalt  }
0x5b: {  	_ =	shalt  }
0x5c: {  	_ =	shalt  }
0x5d: {  	_ =	shalt  }
0x5e: {  	_ =	shalt  }
0x5f: {  	_ =	shalt  }
0x60: {  	_ =	shalt  }
0x61: {  	_ =	shalt  }
0x62: {  	_ =	shalt  }
0x63: {  	_ =	shalt  }
0x64: {  	_ =	shalt  }
0x65: {  	_ =	shalt  }
0x66: {  	_ =	shalt  }
0x67: {  	_ =	shalt  }
0x68: {  	_ =	shalt  }
0x69: {  	_ =	shalt  }
0x6a: {  	_ =	shalt  }
0x6b: {  	_ =	shalt  }
0x6c: {  	_ =	shalt  }
0x6d: {  	_ =	shalt  }
0x6e: {  	_ =	shalt  }
0x6f: {  	_ =	shalt  }
0x70: {  	_ =	shalt  }
0x71: {  	_ =	shalt  }
0x72: {  	_ =	shalt  }
0x73: {  	_ =	shalt  }
0x74: {  	_ =	shalt  }
0x75: {  	_ =	shalt  }
0x76: {  	_ =	shalt  }
0x77: {  	_ =	shalt  }
0x78: {  	_ =	shalt  }
0x79: {  	_ =	shalt  }
0x7a: {  	_ =	shalt  }
0x7b: {  	_ =	shalt  }
0x7c: {  	_ =	shalt  }
0x7d: {  	_ =	shalt  }
0x7e: {  	_ =	shalt  }
0x7f: {  	_ =	shalt  }
0x80: {  	_ =	shalt  }
0x81: {  	_ =	shalt  }
0x82: {  	_ =	shalt  }
0x83: {  	_ =	shalt  }
0x84: {  	_ =	shalt  }
0x85: {  	_ =	shalt  }
0x86: {  	_ =	shalt  }
0x87: {  	_ =	shalt  }
.Lfunc_end0:
.L_simem_size_0:
called_computation_lowered:
.L_overlay_start_0:
0x88: {  	s2 =	sld [smem:$0x3FD9]  }
0x89: {  	s3 =	sld [smem:$0x3FFE];
	_ =	sdelay $0x1  }
0x8a: {  	s1 =	srdreg.scid  }
0x8b: {  	s0 =	sand.u32 $0x1, s1  }
0x8c: {  	s14 =	sshll.u32 s0, $0xA;
	s2 =	sadd.s32 s3, s2  }
0x8d: {  	s2 =	sadd.s32 s2, s14  }
0x8e: {  	[smem:$0x3FC5] =	sst s2  }
0x8f: {  	_ = 	snop  }
0x90: {  	s2 =	sld [smem:$0x3FD0];
	_ =	sdelay $0x2  }
0x91: {  	s4 =	simm.s32 $0xA;
	s5 =	simm.s32 $0x10;
	s15 =	sld [smem:$0x3FC7]  }
0x92: {  	[smem:s5], [sflag:s4] =	dma.local [hbm:s2], $0x1  }
0x93: {  	_ =	swait.eq [sflag:s4], $0x1  }
0x94: {  	[sflag:s4] =	ssyncset.done $0x0  }
0x95: {  	s16 =	sld [smem:$0x10];
	[sflag:s4] =	ssyncadd.s32 $0xFFFFFFFF  }
0x96: {  	s17 =	sld [smem:$0x11];
	(tm) =	ssettm $0x1  }
0x97: {  	s18 =	sld [smem:$0x3FFB];
	_ =	sdelay $0x3  }
0x98: {  	_ =	strace s18  }
0x99: {  	s5 =	sld [smem:$0x3FFC];
	_ =	sdelay $0x3  }
0x9a: {  	_ =	strace s5  }
0x9b: {  	s5 =	sld [smem:$0x3FFD];
	_ =	sdelay $0x3  }
0x9c: {  	_ =	strace s5  }
0x9d: {  	_ =	strace $0x8FFFFFFF  }
0x9e: {  	s19 =	sld [smem:$0x3FDB];
	_ =	sdelay $0x1  }
0x9f: {  	s6 =	simm.s32 $_scs_section_size  }
0xa0: {  	s7 =	simm.s32 $_size__tile_overlayer_lowered;
	s8 =	simm.s32 $_tile_overlayer_lowered  }
0xa1: {  	s22 =	simm.s32 $0x1BFF;
	s21 =	sshll.u32 s8, $0x1;
	s5 =	sadd.s32 s6, s19  }
0xa2: {  	s9 =	simm.s32 $0x0;
	s20 =	sshll.u32 s7, $0x1;
	s7 =	sadd.s32 s21, s5  }
0xa3: {  	[timem:s9], [sflag:s22] =	dma.local [hbm:s7], s20  }
0xa4: {  	_ =	swait.ge [sflag:s22], s20  }
0xa5: {  	s6 =	ssub.s32 $0x0, s20;
	[sflag:s22] =	ssyncset.done $0x0  }
0xa6: {  	[sflag:s22] =	ssyncadd.s32 s6;
	_ =	sdelay $0x1  }
0xa7: {  	s23 =	simm.s32 $0x1B8B  }
0xa8: {  	_ =	swait.ge [sflag:s23], $0x1  }
0xa9: {  	[sflag:s23] =	ssyncset.done $0x0  }
0xaa: {  	s25 =	simm.s32 $0x1B8E;
	s24 =	sld [smem:$0x3FFE];
	[sflag:s23] =	ssyncadd.s32 $0xFFFFFFFF  }
0xab: {  	s26 =	simm.s32 $execute0_lowered;
	[smem:$0x3FD2] =	sst s25  }
0xac: {  	s7 =	sshll.u32 s26, $0x1;
	_ =	strace $0x80000046;
	[dreg:$0x1] =	wrdreg $0xFFFFFFFF  }
0xad: {  	s28 =	simm.s32 $_size_execute0_lowered;
	s5 =	sadd.s32 s5, s7;
	[dreg:$0x0] =	wrdreg $0x0  }
0xae: {  	s7 =	sshll.u32 s28, $0x1;
	[dreg:$0x2] =	wrdreg s5  }
0xaf: {  	[dreg:$0x3] =	wrdreg s7  }
0xb0: {  	[dreg:$0x4] =	wrdreg $0xC0  }
0xb1: {  	_ =	task [dreg:s9], $0x5FFFF  }
0xb2: {  	[dreg:$0x1] =	wrdreg $0xFFFFFFFF  }
0xb3: {  	[dreg:$0x0] =	wrdreg $0x60  }
0xb4: {  	[dreg:$0x2] =	wrdreg s24  }
0xb5: {  	[dreg:$0x3] =	wrdreg s15  }
0xb6: {  	[dreg:$0x4] =	wrdreg s16  }
0xb7: {  	[dreg:$0x5] =	wrdreg s17  }
0xb8: {  	[dreg:$0x6] =	wrdreg $0x9  }
0xb9: {  	_ =	task.clear_ibuf [dreg:s9], $0x7FFFF;
	_ =	strace $0x90000046  }
0xba: {  	s29 =	simm.s32 $0x9;
	_ =	strace $0x80000048  }
0xbb: {  	_ =	swait.ge [sflag:s29], $0x1  }
0xbc: {  	[sflag:s29] =	ssyncadd.s32 $0xFFFFFFFF  }
0xbd: {  	_ =	strace $0x90000048  }
0xbe: {  	_ =	sfence  }
0xbf: {  	s30 =	sld [smem:$0x0];
	_ =	sdelay $0x2  }
0xc0: {  	s31 =	sshll.u32 s1, $0xD;
	s1 =	sshrl.u32 s1, $0x2  }
0xc1: {  	s3 =	sand.u32 $0x4000, s31;
	s1 =	sadd.s32 s1, s30  }
0xc2: {  	s0 =	sor.u32 s3, s0;
	s1 =	sshll.u32 s1, $0x11  }
0xc3: {  	s0 =	sor.u32 s1, s0  }
0xc4: {  	s0 =	sadd.s32 $0x8F2B, s0  }
0xc5: {  	[sflag:s0] =	ssyncadd.remote.s32 $0x1  }
0xc6: {  	_ =	sfence.sel $0xFFFF  }
0xc7: {  	[dreg:$0x0] =	wrdreg $0xFFFFFFFF;
	(pc) =	sbr.abs _section_cstart, $3  }
0xc8: {  	[dreg:$0x1] =	wrdreg $0xFFFFFFFF  }
0xc9: {  	_ =	task.clear_ibuf [dreg:s9], $0x2FFFF;
	_ =	strace $0x9FFFFFFF  }
0xca: {  	(tm) =	ssettm $0x7FFFFFFF  }
0xcb: {  	_ =	shalt  }
tec
execute0_lowered:
.L_overlay_start_1:
0x0: {  	(tag) =	ssettag $0x1  }
0x1: {  	s0 =	rddreg [dreg:$0x0]  }
0x2: {  	s1 =	rddreg [dreg:$0x1]  }
0x3: {  	s2 =	srdreg.scid;
	s3 =	rddreg [dreg:$0x2]  }
0x4: {  	s10 =	stileid.u32;
	s6 =	rddreg [dreg:$0x3];
	s12 =	simm.s32 $0x80  }
0x5: {  	s13 =	simm.s32 $0x12300;
	s14 =	simm.s32 $0x1;
	s21 =	simm.s32 $0x2300  }
0x6: {  	s16 =	simm.s32 $0x2;
	s19 =	simm.s32 $0x6300;
	s18 =	simm.s32 $0x3  }
0x7: {  	s15 =	simm.s32 $0xA300;
	s20 =	simm.s32 $0x4;
	s23 =	simm.s32 $0xE300  }
0x8: {  	s22 =	simm.s32 $0x5;
	s2 =	sand.u32 $0x1, s2;
	s4 =	sshll.u32 s10, $0x1  }
0x9: {  	s24 =	simm.s32 $0x7;
	s10 =	smul.u32 $0x32000, s10;
	s7 =	sor.u32 s2, s4  }
0xa: {  	s4 =	simm.s32 $0x0;
	s9 =	ssub.s32 $0x2, s2;
	s2 =	smul.u32 $0x19000, s2  }
0xb: {  	s25 =	simm.s32 $0x8;
	s5 =	smul.u32 $0xA00, s7;
	[smem:$0x7FF] =	sst s4  }
0xc: {  	s7 =	smul.u32 $0x1900, s7;
	s11 =	sshrl.u32 s9, $0x1;
	s6 =	sadd.s32 s10, s6  }
0xd: {  	_ =	strace $0x80000047;
	s29 =	ssub.s32 s9, s11;
	s8 =	sshrl.u32 s5, $0x3  }
0xe: {  	s7 =	sshrl.u32 s7, $0x3;
	s31 =	smax.u32 s29, $0x1;
	s8 =	sadd.s32 s8, s0  }
0xf: {  	s0 =	sadd.s32 s7, s0;
	[dreg:$0x7] =	wrdreg s31;
	s8 =	sadd.s32 $0xE00, s8  }
0x10: {  	s30 =	sadd.s32 s2, s6;
	s0 =	sadd.s32 $0x3600, s0;
	[dreg:$0x5] =	wrdreg s8  }
0x11: {  	s26 =	simm.s32 $0x9;
	[dreg:$0x6] =	wrdreg s0;
	s0 =	sadd.s32 $0x2000, s30  }
0x12: {  	s28 =	simm.s32 $0xA;
	s2 =	simm.s32 $0x0;
	[dreg:$0x8] =	wrdreg s0  }
.LBB2_1:
0x13: {  	[dreg:$0x9] =	wrdreg s2  }
0x14: {  	s0 =	rddreg [dreg:$0x5];
	s10 =	simm.s32 $0xB  }
0x15: {  	[tilespmem:s4], [sflag:$0xB] =	stream.linear.gather [hbm4b:s0+s4], $0xA00, $0x38;
	[tilespmem:$0x16300] =	vst v63  }
0x16: {  	_ =	swait.ge [sflag:s10], $0xA00  }
0x17: {  	[sflag:s10] =	ssyncset.done $0x0  }
0x18: {  	s6 =	simm.s32 $0xA00;
	s11 =	rddreg [dreg:$0x6];
	[sflag:s10] =	ssyncadd.s32 $0xFFFFF600  }
0x19: {  	[tilespmem:s6], [sflag:$0xB] =	stream.linear.gather [hbm4b:s11+s4], $0x1900, $0x38;
	[tilespmem:$0x16300] =	vst v63  }
0x1a: {  	p0 =	por $0x0, $0x0;
	_ =	swait.ge [sflag:s10], $0x1900  }
0x1b: {  	p1 =	por p0, p0;
	[sflag:s10] =	ssyncset.done $0x0  }
0x1c: {  	s0 =	simm.s32 @p1 $0x6;
	[sflag:s10] =	ssyncadd.s32 $0xFFFFE700  }
0x1d: {  	_ =	swait.ge @p1 [sflag:s0], $0x4000  }
0x1e: {  	s2 =	simm.s32 @p1 $0x2300;
	s7 =	simm.s32 @p1 $0x80;
	[sflag:s0] =	ssyncset.done @p1 $0x0  }
0x1f: {  	s6 =	simm.s32 @p1 $0x7;
	[sflag:s0] =	ssyncadd.s32 @p1 $0xFFFFC000;
	s0 =	simm.s32 @p1 $0x0  }
0x20: {  	[tilespmem:s2], [sflag:$0x1] =	stream.indirect.gather @p1 [hbm4b:s1+s7], $0x80, s0, s7, $0xb8;
	[tilespmem:$0x16300] =	vst v63  }
0x21: {  	_ =	swait.ge @p1 [sflag:s6], $0x4000  }
0x22: {  	s0 =	simm.s32 @p1 $0x8;
	[sflag:s6] =	ssyncset.done @p1 $0x0  }
0x23: {  	s2 =	simm.s32 @p1 $0x80;
	[sflag:s6] =	ssyncadd.s32 @p1 $0xFFFFC000;
	s6 =	simm.s32 @p1 $0x6300  }
0x24: {  	[tilespmem:s6], [sflag:$0x2] =	stream.indirect.gather @p1 [hbm4b:s1+s7], $0x80, s2, s7, $0xb8;
	[tilespmem:$0x16300] =	vst v63  }
0x25: {  	_ =	swait.ge @p1 [sflag:s0], $0x4000  }
0x26: {  	s2 =	simm.s32 @p1 $0x9;
	[sflag:s0] =	ssyncset.done @p1 $0x0  }
0x27: {  	s6 =	simm.s32 @p1 $0xA300;
	[sflag:s0] =	ssyncadd.s32 @p1 $0xFFFFC000;
	s0 =	simm.s32 @p1 $0x100  }
0x28: {  	[tilespmem:s6], [sflag:$0x3] =	stream.indirect.gather @p1 [hbm4b:s1+s7], $0x80, s0, s7, $0xb8;
	[tilespmem:$0x16300] =	vst v63  }
0x29: {  	s30 =	simm.s32 $0x400;
	_ =	swait.ge @p1 [sflag:s2], $0x4000  }
0x2a: {  	s8 =	simm.s32 @p1 $0xA;
	s0 =	simm.s32 $0x180;
	[sflag:s2] =	ssyncset.done @p1 $0x0  }
0x2b: {  	s6 =	simm.s32 @p0 $0x0;
	[sflag:s2] =	ssyncadd.s32 @p1 $0xFFFFC000;
	s2 =	simm.s32 @p1 $0xE300  }
0x2c: {  	[tilespmem:s2], [sflag:$0x4] =	stream.indirect.gather @p1 [hbm4b:s1+s7], $0x80, s0, s7, $0xb8;
	[tilespmem:$0x16300] =	vst v63  }
0x2d: {  	s9 =	simm.s32 @!p1 $0x0;
	s6 =	simm.s32 @!p0 $0x0;
	_ =	swait.ge @p1 [sflag:s8], $0x4000  }
0x2e: {  	s17 =	sadd.s32 s5, s6;
	s29 =	sadd.s32 $0x200, s6;
	[sflag:s8] =	ssyncset.done @p1 $0x0  }
0x2f: {  	s7 =	simm.s32 @!p1 $0x2300;
	[sflag:s8] =	ssyncadd.s32 @p1 $0xFFFFC000;
	s8 =	simm.s32 @!p1 $0x80  }
0x30: {  	[tilespmem:s7], [sflag:$0x1] =	stream.indirect.gather @!p1 [hbm4b:s1+s8], $0x80, s9, s8, $0xb8;
	[tilespmem:$0x16300] =	vst v63  }
0x31: {  	s0 =	simm.s32 @p0 $0x80;
	s2 =	sshll.u32 s17, $0x4;
	s7 =	simm.s32 @!p1 $0x6300  }
0x32: {  	[tilespmem:s7], [sflag:$0x2] =	stream.indirect.gather @!p1 [hbm4b:s1+s8], $0x80, s8, s8, $0xb8;
	[tilespmem:$0x16300] =	vst v63  }
0x33: {  	s0 =	simm.s32 @!p0 $0x80;
	s9 =	simm.s32 @!p1 $0xA300;
	s7 =	simm.s32 @!p1 $0x100  }
0x34: {  	[tilespmem:s9], [sflag:$0x3] =	stream.indirect.gather @!p1 [hbm4b:s1+s8], $0x80, s7, s8, $0xb8;
	[tilespmem:$0x16300] =	vst v63  }
0x35: {  	s0 =	sadd.s32 s5, s0;
	s7 =	simm.s32 @!p1 $0x180;
	s9 =	simm.s32 @!p1 $0xE300  }
0x36: {  	[tilespmem:s9], [sflag:$0x4] =	stream.indirect.gather @!p1 [hbm4b:s1+s8], $0x80, s7, s8, $0xb8;
	[tilespmem:$0x16300] =	vst v63  }
0x37: {  	s2 =	sadd.s32 s3, s2;
	s0 =	sshll.u32 s0, $0x4;
	s8 =	simm.s32 $0x180  }
0x38: {  	s0 =	sadd.s32 s3, s0;
	s7 =	simm.s32 @p0 $0x100;
	s8 =	simm.s32 @!p0 $0x180  }
0x39: {  	[tilespmem:s13], [sflag:$0x5] =	stream.indirect.gather [hbm4b:s1+s12], $0x80, s29, s12, $0xb8;
	[tilespmem:$0x16300] =	vst v63  }
0x3a: {  	s7 =	simm.s32 @!p0 $0x100;
	p0 =	por $0x1, $0x1;
	_ =	swait.ge [sflag:s14], $0x4000  }
0x3b: {  	s11 =	sadd.s32 s5, s8;
	s7 =	sadd.s32 s5, s7;
	[sflag:s14] =	ssyncset.done $0x0  }
0x3c: {  	s31 =	simm.s32 @p0 $0x280;
	s8 =	simm.s32 $0x400;
	[sflag:s14] =	ssyncadd.s32 $0xFFFFC000  }
0x3d: {  	[hbm4b:s2+s4] =	stream.linear.scatter [tilespmem:s21], [sflag:$0x6], $0x4000, $0x38;
	[tilespmem:$0x16300] =	vst v63  }
0x3e: {  	s29 =	sadd.s32 s5, s29;
	s6 =	sshll.u32 s11, $0x4;
	_ =	swait.ge [sflag:s16], $0x4000  }
0x3f: {  	s17 =	sshll.u32 s7, $0x4;
	s7 =	simm.s32 $0x680;
	[sflag:s16] =	ssyncset.done $0x0  }
0x40: {  	s31 =	simm.s32 @!p0 $0x0;
	s8 =	simm.s32 @!p0 $0x180;
	[sflag:s16] =	ssyncadd.s32 $0xFFFFC000  }
0x41: {  	[hbm4b:s0+s4] =	stream.linear.scatter [tilespmem:s19], [sflag:$0x7], $0x4000, $0x38;
	[tilespmem:$0x16300] =	vst v63  }
0x42: {  	s8 =	sadd.s32 s5, s8;
	s0 =	simm.s32 @p0 $0x300;
	_ =	swait.ge [sflag:s18], $0x4000  }
0x43: {  	s6 =	sadd.s32 s3, s6;
	s0 =	simm.s32 @!p0 $0x80;
	[sflag:s18] =	ssyncset.done $0x0  }
0x44: {  	s2 =	sadd.s32 s3, s17;
	s0 =	sadd.s32 s5, s0;
	[sflag:s18] =	ssyncadd.s32 $0xFFFFC000  }
0x45: {  	[hbm4b:s2+s4] =	stream.linear.scatter [tilespmem:s15], [sflag:$0x8], $0x4000, $0x38;
	[tilespmem:$0x16300] =	vst v63  }
0x46: {  	s2 =	sshll.u32 s0, $0x4;
	s0 =	simm.s32 @p0 $0x380;
	_ =	swait.ge [sflag:s20], $0x4000  }
0x47: {  	s21 =	sadd.s32 s5, s31;
	s0 =	simm.s32 @!p0 $0x100;
	[sflag:s20] =	ssyncset.done $0x0  }
0x48: {  	s11 =	sshll.u32 s21, $0x4;
	s10 =	sadd.s32 s5, s0;
	[sflag:s20] =	ssyncadd.s32 $0xFFFFC000  }
0x49: {  	[hbm4b:s6+s4] =	stream.linear.scatter [tilespmem:s23], [sflag:$0x9], $0x4000, $0x38;
	[tilespmem:$0x16300] =	vst v63  }
0x4a: {  	s0 =	sshll.u32 s8, $0x4;
	s8 =	sshll.u32 s29, $0x4;
	_ =	swait.ge [sflag:s22], $0x4000  }
0x4b: {  	p0 =	por p0, p0;
	s9 =	sadd.s32 s3, s8;
	[sflag:s22] =	ssyncset.done $0x0  }
0x4c: {  	s8 =	simm.s32 $0x0;
	s6 =	sshll.u32 s10, $0x4;
	[sflag:s22] =	ssyncadd.s32 $0xFFFFC000  }
.LBB2_2:
0x4d: {  	[hbm4b:s9+s8] =	stream.linear.scatter [tilespmem:s13], [sflag:$0xA], $0x4000, $0x38;
	[tilespmem:$0x16300] =	vst v63  }
0x4e: {  	s9 =	smov.u32 s7;
	s7 =	sadd.s32 $0x280, s7  }
0x4f: {  	s10 =	simm.s32 @p0 $0x6;
	s29 =	simm.s32 @p0 $0x2300;
	p1 =	sne.s32 s9, $0x180  }
0x50: {  	s8 =	sadd.s32 @p1 $0xFFFFFE80, s9;
	s15 =	sadd.s32 @p1 $0xFFFFFF00, s9;
	_ =	swait.ge @p0 [sflag:s10], $0x4000  }
0x51: {  	s17 =	simm.s32 @p0 $0x7;
	s23 =	simm.s32 $0x6300;
	[sflag:s10] =	ssyncset.done @p0 $0x0  }
0x52: {  	s19 =	simm.s32 @p0 $0x80;
	[sflag:s10] =	ssyncadd.s32 @p0 $0xFFFFC000;
	s10 =	sadd.s32 @p0 $0xFFFFFE80, s30  }
0x53: {  	[tilespmem:s29], [sflag:$0x1] =	stream.indirect.gather @p0 [hbm4b:s1+s19], $0x80, s10, s19, $0xb8;
	[tilespmem:$0x16300] =	vst v63  }
0x54: {  	s15 =	simm.s32 @!p1 $0x80;
	s8 =	simm.s32 @!p1 $0x0;
	_ =	swait.ge @p0 [sflag:s17], $0x4000  }
0x55: {  	s21 =	simm.s32 @p0 $0x8;
	s10 =	sadd.s32 s5, s8;
	[sflag:s17] =	ssyncset.done @p0 $0x0  }
0x56: {  	s29 =	simm.s32 @p0 $0x6300;
	[sflag:s17] =	ssyncadd.s32 @p0 $0xFFFFC000;
	s17 =	sadd.s32 @p0 $0xFFFFFF00, s30  }
0x57: {  	[tilespmem:s29], [sflag:$0x2] =	stream.indirect.gather @p0 [hbm4b:s1+s19], $0x80, s17, s19, $0xb8;
	[tilespmem:$0x16300] =	vst v63  }
0x58: {  	s29 =	sshll.u32 s10, $0x4;
	s10 =	sadd.s32 s5, s15;
	_ =	swait.ge @p0 [sflag:s21], $0x4000  }
0x59: {  	s15 =	simm.s32 @p0 $0x9;
	s10 =	sshll.u32 s10, $0x4;
	[sflag:s21] =	ssyncset.done @p0 $0x0  }
0x5a: {  	s17 =	sadd.s32 @p0 $0xFFFFFF80, s30;
	[sflag:s21] =	ssyncadd.s32 @p0 $0xFFFFC000;
	s21 =	simm.s32 @p0 $0xA300  }
0x5b: {  	[tilespmem:s21], [sflag:$0x3] =	stream.indirect.gather @p0 [hbm4b:s1+s19], $0x80, s17, s19, $0xb8;
	[tilespmem:$0x16300] =	vst v63  }
0x5c: {  	s17 =	sadd.s32 @p1 $0xFFFFFF80, s9;
	s9 =	simm.s32 @!p1 $0x180;
	_ =	swait.ge @p0 [sflag:s15], $0x4000  }
0x5d: {  	s17 =	simm.s32 @!p1 $0x100;
	s9 =	sadd.s32 s5, s9;
	[sflag:s15] =	ssyncset.done @p0 $0x0  }
0x5e: {  	s21 =	simm.s32 @p0 $0xA;
	[sflag:s15] =	ssyncadd.s32 @p0 $0xFFFFC000;
	s15 =	simm.s32 @p0 $0xE300  }
0x5f: {  	[tilespmem:s15], [sflag:$0x4] =	stream.indirect.gather @p0 [hbm4b:s1+s19], $0x80, s30, s19, $0xb8;
	[tilespmem:$0x16300] =	vst v63  }
0x60: {  	s9 =	sshll.u32 s9, $0x4;
	s15 =	sadd.s32 s5, s17;
	_ =	swait.ge @p0 [sflag:s21], $0x4000  }
0x61: {  	s17 =	simm.s32 @!p0 $0x2300;
	s15 =	sshll.u32 s15, $0x4;
	[sflag:s21] =	ssyncset.done @p0 $0x0  }
0x62: {  	s19 =	simm.s32 @!p0 $0x80;
	[sflag:s21] =	ssyncadd.s32 @p0 $0xFFFFC000;
	s21 =	simm.s32 @!p0 $0x0  }
0x63: {  	[tilespmem:s17], [sflag:$0x1] =	stream.indirect.gather @!p0 [hbm4b:s1+s19], $0x80, s21, s19, $0xb8;
	[tilespmem:$0x16300] =	vst v63  }
0x64: {  	p2 =	sne.s32 s7, $0xB80;
	s17 =	simm.s32 @!p0 $0x6300  }
0x65: {  	[tilespmem:s17], [sflag:$0x2] =	stream.indirect.gather @!p0 [hbm4b:s1+s19], $0x80, s19, s19, $0xb8;
	[tilespmem:$0x16300] =	vst v63  }
0x66: {  	s21 =	simm.s32 @!p0 $0xA300;
	s17 =	simm.s32 @!p0 $0x100  }
0x67: {  	[tilespmem:s21], [sflag:$0x3] =	stream.indirect.gather @!p0 [hbm4b:s1+s19], $0x80, s17, s19, $0xb8;
	[tilespmem:$0x16300] =	vst v63  }
0x68: {  	s17 =	simm.s32 @!p0 $0x180;
	s21 =	simm.s32 @!p0 $0xE300  }
0x69: {  	[tilespmem:s21], [sflag:$0x4] =	stream.indirect.gather @!p0 [hbm4b:s1+s19], $0x80, s17, s19, $0xb8;
	[tilespmem:$0x16300] =	vst v63  }
0x6a: {  	s21 =	simm.s32 $0x2300  }
0x6b: {  	s17 =	sadd.s32 $0x200, s31;
	s31 =	smov.u32 s8;
	p0 =	por p1, p1  }
0x6c: {  	[tilespmem:s13], [sflag:$0x5] =	stream.indirect.gather [hbm4b:s1+s12], $0x80, s17, s12, $0xb8;
	[tilespmem:$0x16300] =	vst v63  }
0x6d: {  	s8 =	sadd.s32 s5, s17;
	_ =	swait.ge [sflag:s14], $0x4000  }
0x6e: {  	s17 =	sshll.u32 s8, $0x4;
	[sflag:s14] =	ssyncset.done $0x0  }
0x6f: {  	s11 =	sadd.s32 s3, s11;
	s8 =	simm.s32 $0x0;
	[sflag:s14] =	ssyncadd.s32 $0xFFFFC000  }
0x70: {  	[hbm4b:s11+s8] =	stream.linear.scatter [tilespmem:s21], [sflag:$0x6], $0x4000, $0x38;
	[tilespmem:$0x16300] =	vst v63  }
0x71: {  	s11 =	smov.u32 s29;
	_ =	swait.ge [sflag:s16], $0x4000  }
0x72: {  	[sflag:s16] =	ssyncset.done $0x0  }
0x73: {  	s19 =	sadd.s32 s3, s2;
	s2 =	smov.u32 s10;
	[sflag:s16] =	ssyncadd.s32 $0xFFFFC000  }
0x74: {  	[hbm4b:s19+s8] =	stream.linear.scatter [tilespmem:s23], [sflag:$0x7], $0x4000, $0x38;
	[tilespmem:$0x16300] =	vst v63  }
0x75: {  	s23 =	simm.s32 $0xE300;
	s19 =	simm.s32 $0x6300  }
0x76: {  	_ =	swait.ge [sflag:s18], $0x4000  }
0x77: {  	s10 =	sadd.s32 s3, s6;
	[sflag:s18] =	ssyncset.done $0x0  }
0x78: {  	s6 =	smov.u32 s15;
	s15 =	simm.s32 $0xA300;
	[sflag:s18] =	ssyncadd.s32 $0xFFFFC000  }
0x79: {  	[hbm4b:s10+s8] =	stream.linear.scatter [tilespmem:s15], [sflag:$0x8], $0x4000, $0x38;
	[tilespmem:$0x16300] =	vst v63  }
0x7a: {  	_ =	swait.ge [sflag:s20], $0x4000  }
0x7b: {  	[sflag:s20] =	ssyncset.done $0x0  }
.Ltmp0:
0x7c: {  	s0 =	sadd.s32 s3, s0;
	[sflag:s20] =	ssyncadd.s32 $0xFFFFC000;
	(pc) =	sbr.rel @p2 .LBB2_2-.Ltmp0, $4  }
0x7d: {  	[hbm4b:s0+s8] =	stream.linear.scatter [tilespmem:s23], [sflag:$0x9], $0x4000, $0x38;
	[tilespmem:$0x16300] =	vst v63  }
0x7e: {  	s0 =	smov.u32 s9;
	_ =	swait.ge [sflag:s22], $0x4000  }
0x7f: {  	[sflag:s22] =	ssyncset.done $0x0  }
0x80: {  	s30 =	sadd.s32 $0x280, s30;
	s9 =	sadd.s32 s3, s17;
	[sflag:s22] =	ssyncadd.s32 $0xFFFFC000  }
0x81: {  	[hbm4b:s9+s8] =	stream.linear.scatter [tilespmem:s13], [sflag:$0xA], $0x4000, $0x38;
	[tilespmem:$0x16300] =	vst v63  }
0x82: {  	s7 =	simm.s32 @p0 $0x6  }
0x83: {  	_ =	swait.ge @p0 [sflag:s7], $0x4000  }
0x84: {  	s9 =	simm.s32 @p0 $0x2300;
	[sflag:s7] =	ssyncset.done @p0 $0x0  }
0x85: {  	s10 =	simm.s32 @p0 $0x80;
	[sflag:s7] =	ssyncadd.s32 @p0 $0xFFFFC000;
	s7 =	sadd.s32 @p0 $0xFFFFFE80, s30  }
0x86: {  	[tilespmem:s9], [sflag:$0x1] =	stream.indirect.gather @p0 [hbm4b:s1+s10], $0x80, s7, s10, $0xb8;
	[tilespmem:$0x16300] =	vst v63  }
0x87: {  	s7 =	simm.s32 @p0 $0x7  }
0x88: {  	_ =	swait.ge @p0 [sflag:s7], $0x4000  }
0x89: {  	[sflag:s7] =	ssyncset.done @p0 $0x0  }
0x8a: {  	s9 =	simm.s32 @p0 $0x6300;
	[sflag:s7] =	ssyncadd.s32 @p0 $0xFFFFC000;
	s7 =	sadd.s32 @p0 $0xFFFFFF00, s30  }
0x8b: {  	[tilespmem:s9], [sflag:$0x2] =	stream.indirect.gather @p0 [hbm4b:s1+s10], $0x80, s7, s10, $0xb8;
	[tilespmem:$0x16300] =	vst v63  }
0x8c: {  	s7 =	simm.s32 @p0 $0x8  }
0x8d: {  	_ =	swait.ge @p0 [sflag:s7], $0x4000  }
0x8e: {  	[sflag:s7] =	ssyncset.done @p0 $0x0  }
0x8f: {  	s9 =	simm.s32 @p0 $0xA300;
	[sflag:s7] =	ssyncadd.s32 @p0 $0xFFFFC000;
	s7 =	sadd.s32 @p0 $0xFFFFFF80, s30  }
0x90: {  	[tilespmem:s9], [sflag:$0x3] =	stream.indirect.gather @p0 [hbm4b:s1+s10], $0x80, s7, s10, $0xb8;
	[tilespmem:$0x16300] =	vst v63  }
0x91: {  	s7 =	simm.s32 @p0 $0x9  }
0x92: {  	_ =	swait.ge @p0 [sflag:s7], $0x4000  }
0x93: {  	[sflag:s7] =	ssyncset.done @p0 $0x0  }
0x94: {  	[sflag:s7] =	ssyncadd.s32 @p0 $0xFFFFC000;
	s7 =	simm.s32 @p0 $0xE300  }
0x95: {  	[tilespmem:s7], [sflag:$0x4] =	stream.indirect.gather @p0 [hbm4b:s1+s10], $0x80, s30, s10, $0xb8;
	[tilespmem:$0x16300] =	vst v63  }
0x96: {  	s7 =	simm.s32 @p0 $0xA  }
0x97: {  	_ =	swait.ge @p0 [sflag:s7], $0x4000  }
0x98: {  	s9 =	simm.s32 @!p0 $0x2300;
	[sflag:s7] =	ssyncset.done @p0 $0x0  }
0x99: {  	s10 =	simm.s32 @!p0 $0x0;
	[sflag:s7] =	ssyncadd.s32 @p0 $0xFFFFC000;
	s7 =	simm.s32 @!p0 $0x80  }
0x9a: {  	[tilespmem:s9], [sflag:$0x1] =	stream.indirect.gather @!p0 [hbm4b:s1+s7], $0x80, s10, s7, $0xb8;
	[tilespmem:$0x16300] =	vst v63  }
0x9b: {  	s9 =	simm.s32 @!p0 $0x6300  }
0x9c: {  	[tilespmem:s9], [sflag:$0x2] =	stream.indirect.gather @!p0 [hbm4b:s1+s7], $0x80, s7, s7, $0xb8;
	[tilespmem:$0x16300] =	vst v63  }
0x9d: {  	s10 =	simm.s32 @!p0 $0xA300;
	s9 =	simm.s32 @!p0 $0x100  }
0x9e: {  	[tilespmem:s10], [sflag:$0x3] =	stream.indirect.gather @!p0 [hbm4b:s1+s7], $0x80, s9, s7, $0xb8;
	[tilespmem:$0x16300] =	vst v63  }
0x9f: {  	s9 =	simm.s32 @!p0 $0x180;
	s10 =	simm.s32 @!p0 $0xE300  }
0xa0: {  	[tilespmem:s10], [sflag:$0x4] =	stream.indirect.gather @!p0 [hbm4b:s1+s7], $0x80, s9, s7, $0xb8;
	[tilespmem:$0x16300] =	vst v63  }
0xa1: {  	s29 =	sadd.s32 $0x200, s31  }
0xa2: {  	[tilespmem:s13], [sflag:$0x5] =	stream.indirect.gather [hbm4b:s1+s12], $0x80, s29, s12, $0xb8;
	[tilespmem:$0x16300] =	vst v63  }
0xa3: {  	_ =	swait.ge [sflag:s14], $0x4000  }
0xa4: {  	[sflag:s14] =	ssyncset.done $0x0  }
0xa5: {  	s30 =	sadd.s32 s3, s11;
	[sflag:s14] =	ssyncadd.s32 $0xFFFFC000  }
0xa6: {  	[hbm4b:s30+s8] =	stream.linear.scatter [tilespmem:s21], [sflag:$0x6], $0x4000, $0x38;
	[tilespmem:$0x16300] =	vst v63  }
0xa7: {  	_ =	swait.ge [sflag:s16], $0x4000  }
0xa8: {  	[sflag:s16] =	ssyncset.done $0x0  }
0xa9: {  	s2 =	sadd.s32 s3, s2;
	[sflag:s16] =	ssyncadd.s32 $0xFFFFC000  }
0xaa: {  	[hbm4b:s2+s8] =	stream.linear.scatter [tilespmem:s19], [sflag:$0x7], $0x4000, $0x38;
	[tilespmem:$0x16300] =	vst v63  }
0xab: {  	_ =	swait.ge [sflag:s18], $0x4000  }
0xac: {  	[sflag:s18] =	ssyncset.done $0x0  }
0xad: {  	s31 =	sadd.s32 s3, s6;
	[sflag:s18] =	ssyncadd.s32 $0xFFFFC000  }
0xae: {  	[hbm4b:s31+s8] =	stream.linear.scatter [tilespmem:s15], [sflag:$0x8], $0x4000, $0x38;
	[tilespmem:$0x16300] =	vst v63  }
0xaf: {  	_ =	swait.ge [sflag:s20], $0x4000  }
0xb0: {  	[sflag:s20] =	ssyncset.done $0x0  }
0xb1: {  	s0 =	sadd.s32 s3, s0;
	[sflag:s20] =	ssyncadd.s32 $0xFFFFC000  }
0xb2: {  	[hbm4b:s0+s8] =	stream.linear.scatter [tilespmem:s23], [sflag:$0x9], $0x4000, $0x38;
	[tilespmem:$0x16300] =	vst v63  }
0xb3: {  	s2 =	sadd.s32 s5, s29;
	_ =	swait.ge [sflag:s22], $0x4000  }
0xb4: {  	s0 =	sshll.u32 s2, $0x4;
	[sflag:s22] =	ssyncset.done $0x0  }
0xb5: {  	s9 =	simm.s32 $0x6;
	s0 =	sadd.s32 s3, s0;
	[sflag:s22] =	ssyncadd.s32 $0xFFFFC000  }
0xb6: {  	[hbm4b:s0+s8] =	stream.linear.scatter [tilespmem:s13], [sflag:$0xA], $0x4000, $0x38;
	[tilespmem:$0x16300] =	vst v63  }
0xb7: {  	_ =	swait.ge [sflag:s9], $0x4000  }
0xb8: {  	[sflag:s9] =	ssyncset.done $0x0  }
0xb9: {  	s6 =	simm.s32 $0xA00;
	[sflag:s9] =	ssyncadd.s32 $0xFFFFC000  }
0xba: {  	[tilespmem:s21], [sflag:$0x1] =	stream.indirect.gather [hbm4b:s1+s12], $0x80, s6, s12, $0xb8;
	[tilespmem:$0x16300] =	vst v63  }
0xbb: {  	_ =	swait.ge [sflag:s24], $0x4000  }
0xbc: {  	[sflag:s24] =	ssyncset.done $0x0  }
0xbd: {  	s7 =	simm.s32 $0xA80;
	[sflag:s24] =	ssyncadd.s32 $0xFFFFC000  }
0xbe: {  	[tilespmem:s19], [sflag:$0x2] =	stream.indirect.gather [hbm4b:s1+s12], $0x80, s7, s12, $0xb8;
	[tilespmem:$0x16300] =	vst v63  }
0xbf: {  	_ =	swait.ge [sflag:s25], $0x4000  }
0xc0: {  	[sflag:s25] =	ssyncset.done $0x0  }
0xc1: {  	s8 =	simm.s32 $0xB00;
	[sflag:s25] =	ssyncadd.s32 $0xFFFFC000  }
0xc2: {  	[tilespmem:s15], [sflag:$0x3] =	stream.indirect.gather [hbm4b:s1+s12], $0x80, s8, s12, $0xb8;
	[tilespmem:$0x16300] =	vst v63  }
0xc3: {  	_ =	swait.ge [sflag:s26], $0x4000  }
0xc4: {  	[sflag:s26] =	ssyncset.done $0x0  }
0xc5: {  	s10 =	simm.s32 $0xB80;
	[sflag:s26] =	ssyncadd.s32 $0xFFFFC000  }
0xc6: {  	[tilespmem:s23], [sflag:$0x4] =	stream.indirect.gather [hbm4b:s1+s12], $0x80, s10, s12, $0xb8;
	[tilespmem:$0x16300] =	vst v63  }
0xc7: {  	_ =	swait.ge [sflag:s28], $0x4000  }
0xc8: {  	[sflag:s28] =	ssyncset.done $0x0  }
0xc9: {  	s11 =	simm.s32 $0xC00;
	[sflag:s28] =	ssyncadd.s32 $0xFFFFC000  }
0xca: {  	[tilespmem:s13], [sflag:$0x5] =	stream.indirect.gather [hbm4b:s1+s12], $0x80, s11, s12, $0xb8;
	[tilespmem:$0x16300] =	vst v63  }
0xcb: {  	_ =	swait.ge [sflag:s14], $0x4000  }
0xcc: {  	[sflag:s14] =	ssyncset.done $0x0;
	s6 =	rddreg [dreg:$0x8]  }
0xcd: {  	[sflag:s14] =	ssyncadd.s32 $0xFFFFC000;
	s17 =	sadd.s32 $0xFFFFE000, s6  }
0xce: {  	[hbm4b:s17+s4] =	stream.linear.scatter [tilespmem:s21], [sflag:$0x6], $0x4000, $0x38;
	[tilespmem:$0x16300] =	vst v63  }
0xcf: {  	_ =	swait.ge [sflag:s16], $0x4000  }
0xd0: {  	[sflag:s16] =	ssyncset.done $0x0  }
0xd1: {  	s29 =	sadd.s32 $0xFFFFE800, s6;
	[sflag:s16] =	ssyncadd.s32 $0xFFFFC000  }
0xd2: {  	[hbm4b:s29+s4] =	stream.linear.scatter [tilespmem:s19], [sflag:$0x7], $0x4000, $0x38;
	[tilespmem:$0x16300] =	vst v63  }
0xd3: {  	_ =	swait.ge [sflag:s18], $0x4000  }
0xd4: {  	[sflag:s18] =	ssyncset.done $0x0  }
0xd5: {  	s30 =	sadd.s32 $0xFFFFF000, s6;
	[sflag:s18] =	ssyncadd.s32 $0xFFFFC000  }
0xd6: {  	[hbm4b:s30+s4] =	stream.linear.scatter [tilespmem:s15], [sflag:$0x8], $0x4000, $0x38;
	[tilespmem:$0x16300] =	vst v63  }
0xd7: {  	_ =	swait.ge [sflag:s20], $0x4000  }
0xd8: {  	p0 =	por $0x1, $0x1;
	[sflag:s20] =	ssyncset.done $0x0  }
.Ltmp1:
0xd9: {  	s31 =	sadd.s32 $0xFFFFF800, s6;
	[sflag:s20] =	ssyncadd.s32 $0xFFFFC000;
	(pc) =	sbr.rel @!p0 .LBB2_5-.Ltmp1, $4  }
0xda: {  	[hbm4b:s31+s4] =	stream.linear.scatter [tilespmem:s23], [sflag:$0x9], $0x4000, $0x38;
	[tilespmem:$0x16300] =	vst v63  }
0xdb: {  	_ =	swait.ge [sflag:s22], $0x4000  }
0xdc: {  	[sflag:s22] =	ssyncset.done $0x0  }
0xdd: {  	s0 =	simm.s32 $0xA00;
	s2 =	sadd.s32 $0x2800, s6;
	[sflag:s22] =	ssyncadd.s32 $0xFFFFC000  }
.LBB2_4:
0xde: {  	[hbm4b:s6+s4] =	stream.linear.scatter [tilespmem:s13], [sflag:$0xA], $0x4000, $0x38;
	[tilespmem:$0x16300] =	vst v63  }
0xdf: {  	s7 =	smov.u32 s0;
	s6 =	smov.u32 s2  }
0xe0: {  	p0 =	sne.s32 s0, $0x5A00;
	s0 =	sadd.s32 $0xA00, s0;
	_ =	swait.ge [sflag:s9], $0x4000  }
0xe1: {  	s7 =	sshra.s32 s7, $0x2;
	[sflag:s9] =	ssyncset.done $0x0  }
0xe2: {  	s8 =	sadd.s32 $0xA00, s7;
	[sflag:s9] =	ssyncadd.s32 $0xFFFFC000  }
0xe3: {  	[tilespmem:s21], [sflag:$0x1] =	stream.indirect.gather [hbm4b:s1+s12], $0x80, s8, s12, $0xb8;
	[tilespmem:$0x16300] =	vst v63  }
0xe4: {  	_ =	swait.ge [sflag:s24], $0x4000  }
0xe5: {  	[sflag:s24] =	ssyncset.done $0x0  }
0xe6: {  	s8 =	sadd.s32 $0xA80, s7;
	[sflag:s24] =	ssyncadd.s32 $0xFFFFC000  }
0xe7: {  	[tilespmem:s19], [sflag:$0x2] =	stream.indirect.gather [hbm4b:s1+s12], $0x80, s8, s12, $0xb8;
	[tilespmem:$0x16300] =	vst v63  }
0xe8: {  	_ =	swait.ge [sflag:s25], $0x4000  }
0xe9: {  	[sflag:s25] =	ssyncset.done $0x0  }
0xea: {  	s8 =	sadd.s32 $0xB00, s7;
	[sflag:s25] =	ssyncadd.s32 $0xFFFFC000  }
0xeb: {  	[tilespmem:s15], [sflag:$0x3] =	stream.indirect.gather [hbm4b:s1+s12], $0x80, s8, s12, $0xb8;
	[tilespmem:$0x16300] =	vst v63  }
0xec: {  	_ =	swait.ge [sflag:s26], $0x4000  }
0xed: {  	[sflag:s26] =	ssyncset.done $0x0  }
0xee: {  	s8 =	sadd.s32 $0xB80, s7;
	[sflag:s26] =	ssyncadd.s32 $0xFFFFC000  }
0xef: {  	[tilespmem:s23], [sflag:$0x4] =	stream.indirect.gather [hbm4b:s1+s12], $0x80, s8, s12, $0xb8;
	[tilespmem:$0x16300] =	vst v63  }
0xf0: {  	_ =	swait.ge [sflag:s28], $0x4000  }
0xf1: {  	[sflag:s28] =	ssyncset.done $0x0  }
0xf2: {  	s7 =	sadd.s32 $0xC00, s7;
	[sflag:s28] =	ssyncadd.s32 $0xFFFFC000  }
0xf3: {  	[tilespmem:s13], [sflag:$0x5] =	stream.indirect.gather [hbm4b:s1+s12], $0x80, s7, s12, $0xb8;
	[tilespmem:$0x16300] =	vst v63  }
0xf4: {  	_ =	swait.ge [sflag:s14], $0x4000  }
0xf5: {  	[sflag:s14] =	ssyncset.done $0x0  }
0xf6: {  	s7 =	sadd.s32 $0xFFFFE000, s2;
	[sflag:s14] =	ssyncadd.s32 $0xFFFFC000  }
0xf7: {  	[hbm4b:s7+s4] =	stream.linear.scatter [tilespmem:s21], [sflag:$0x6], $0x4000, $0x38;
	[tilespmem:$0x16300] =	vst v63  }
0xf8: {  	_ =	swait.ge [sflag:s16], $0x4000  }
0xf9: {  	[sflag:s16] =	ssyncset.done $0x0  }
0xfa: {  	s7 =	sadd.s32 $0xFFFFE800, s2;
	[sflag:s16] =	ssyncadd.s32 $0xFFFFC000  }
0xfb: {  	[hbm4b:s7+s4] =	stream.linear.scatter [tilespmem:s19], [sflag:$0x7], $0x4000, $0x38;
	[tilespmem:$0x16300] =	vst v63  }
0xfc: {  	_ =	swait.ge [sflag:s18], $0x4000  }
0xfd: {  	[sflag:s18] =	ssyncset.done $0x0  }
0xfe: {  	s7 =	sadd.s32 $0xFFFFF000, s2;
	[sflag:s18] =	ssyncadd.s32 $0xFFFFC000  }
0xff: {  	[hbm4b:s7+s4] =	stream.linear.scatter [tilespmem:s15], [sflag:$0x8], $0x4000, $0x38;
	[tilespmem:$0x16300] =	vst v63  }
0x100: {  	_ =	swait.ge [sflag:s20], $0x4000  }
0x101: {  	[sflag:s20] =	ssyncset.done $0x0  }
.Ltmp2:
0x102: {  	s7 =	sadd.s32 $0xFFFFF800, s2;
	[sflag:s20] =	ssyncadd.s32 $0xFFFFC000;
	(pc) =	sbr.rel @p0 .LBB2_4-.Ltmp2, $4  }
0x103: {  	[hbm4b:s7+s4] =	stream.linear.scatter [tilespmem:s23], [sflag:$0x9], $0x4000, $0x38;
	[tilespmem:$0x16300] =	vst v63  }
0x104: {  	_ =	swait.ge [sflag:s22], $0x4000  }
0x105: {  	[sflag:s22] =	ssyncset.done $0x0  }
0x106: {  	s2 =	sadd.s32 $0x2800, s2;
	[sflag:s22] =	ssyncadd.s32 $0xFFFFC000  }
.LBB2_5:
0x107: {  	[hbm4b:s6+s4] =	stream.linear.scatter [tilespmem:s13], [sflag:$0xA], $0x4000, $0x38;
	[tilespmem:$0x16300] =	vst v63  }
0x108: {  	_ =	swait.ge [sflag:s9], $0x4000  }
0x109: {  	[sflag:s9] =	ssyncset.done $0x0  }
0x10a: {  	[sflag:s9] =	ssyncadd.s32 $0xFFFFC000  }
0x10b: {  	_ =	swait.ge [sflag:s24], $0x4000  }
0x10c: {  	[sflag:s24] =	ssyncset.done $0x0  }
0x10d: {  	[sflag:s24] =	ssyncadd.s32 $0xFFFFC000  }
0x10e: {  	_ =	swait.ge [sflag:s25], $0x4000  }
0x10f: {  	[sflag:s25] =	ssyncset.done $0x0  }
0x110: {  	[sflag:s25] =	ssyncadd.s32 $0xFFFFC000  }
0x111: {  	_ =	swait.ge [sflag:s26], $0x4000  }
0x112: {  	[sflag:s26] =	ssyncset.done $0x0  }
0x113: {  	[sflag:s26] =	ssyncadd.s32 $0xFFFFC000  }
0x114: {  	_ =	swait.ge [sflag:s28], $0x4000  }
0x115: {  	s2 =	rddreg [dreg:$0x9]  }
0x116: {  	s0 =	rddreg [dreg:$0x7];
	s2 =	sadd.s32 $0x1, s2  }
0x117: {  	p0 =	sne.s32 s2, s0  }
.Ltmp3:
0x118: {  	_ = 	snop;
	(pc) =	sbr.rel @p0 .LBB2_1-.Ltmp3, $3  }
0x119: {  	_ =	sdelay $0x1  }
0x11a: {  	[sflag:s28] =	ssyncset.done $0x0  }
0x11b: {  	[sflag:s28] =	ssyncadd.s32 $0xFFFFC000  }
0x11c: {  	_ =	sfence.sel $0x180000  }
0x11d: {  	[bflag:$0x0] =	sbarrier.arrive $0xFFFF  }
0x11e: {  	_ =	strace $0x90000047  }
0x11f: {  	s0 =	stileid.u32;
	[bflag:$0x2] =	sbarrier.arrive $0xFFFF  }
0x120: {  	p0 =	sne.s32 s0, $0x0;
	s0 =	rddreg [dreg:$0x4]  }
0x121: {  	s0 =	sadd.s32 @!p0 $0x100000, s0  }
0x122: {  	[sflag:s0] =	ssyncadd.tile.s32 @!p0 $0x1;
	_ =	shalt  }
.Lfunc_end2:
_tile_overlayer_lowered:
.L_overlay_start_2:
0x123: {  	(tag) =	ssettag $0x2  }
0x124: {  	s0 =	rddreg [dreg:$0x0];
	s2 =	stileid.u32  }
0x125: {  	s1 =	rddreg [dreg:$0x1];
	p0 =	sne.s32 s2, $0x0  }
0x126: {  	s3 =	rddreg [dreg:$0x2];
	[bflag:$0x3] =	sbarrier.arrive $0xFFFF;
	s2 =	simm.s32 @!p0 $0x1C0B  }
0x127: {  	[timem:s3], [sflag:s2] =	dma.local @!p0 [hbm:s0], s1  }
0x128: {  	s0 =	simm.s32 @!p0 $0xB  }
0x129: {  	_ =	swait.ge @!p0 [sflag:s0], s1  }
0x12a: {  	s1 =	ssub.s32 @!p0 $0x0, s1;
	[sflag:s0] =	ssyncset.done @!p0 $0x0  }
0x12b: {  	[sflag:s0] =	ssyncadd.s32 @!p0 s1  }
0x12c: {  	[bflag:$0x3] =	sbarrier.arrive $0xFFFF  }
0x12d: {  	_ =	shalt  }

</sc_bundles>
